<compile_context>
chip_gen: v7x
topology: tpu7x:2x2x1
jax: 0.10.2.dev20260603
libtpu: 0.0.44.dev20260713+nightly
codegen_flags: <defaults>
</compile_context>

<pallas_src>
import jax
import jax.numpy as jnp
from jax import lax
from jax.experimental import pallas as pl
from jax.experimental.pallas import tpu as pltpu
from jax.experimental.pallas import tpu_sc as plsc

N = 10000
E = 320000
D = 128
DE = 16
L = 128
ENTRY = D + DE
SECOND = D + L

NC = 2
NS = 16
NW = NC * NS
NP = 10240
EP = NW * NP
CG = 80
GPW = NP // CG
RPT = NP // NS

_HI = lax.Precision.HIGHEST
_f32 = jnp.float32

_SC_MESH = plsc.VectorSubcoreMesh(core_axis_name="c", subcore_axis_name="s")
_SC_PARAMS = pltpu.CompilerParams(needs_layout_passes=False)


def _dot(a, b):
    return lax.dot(a, b, precision=_HI, preferred_element_type=_f32)


_CGS = 128
_NCS = NP // _CGS
_NBS = 4


def _sc_stats_body(row_flat, col_flat, ea_hbm, zero_n, zero_a,
                   cr_out, cc_out, a_out,
                   ridx, cidx, ea_v, cr_v, cc_v, a_sh, sem_a):
    cid = lax.axis_index("c")
    sid = lax.axis_index("s")
    wid = sid * NC + cid
    base0 = wid * NP
    pltpu.sync_copy(zero_n, cr_v)
    pltpu.sync_copy(zero_n, cc_v)
    pltpu.sync_copy(zero_a.at[pl.ds(sid * RPT, RPT)],
                    a_sh.at[pl.ds(sid * RPT, RPT)])
    plsc.subcore_barrier()
    ones = jnp.ones((16,), _f32)

    def step(k, carry):
        base = base0 + k * _CGS
        d1 = pltpu.async_copy(row_flat.at[pl.ds(base, _CGS)], ridx, sem_a)
        d2 = pltpu.async_copy(col_flat.at[pl.ds(base, _CGS)], cidx, sem_a)
        d3 = pltpu.async_copy(ea_hbm.at[pl.ds(base, _CGS)], ea_v, sem_a)
        d1.wait()
        d2.wait()
        d3.wait()
        for i in range(_CGS // 16):
            sl = pl.ds(i * 16, 16)
            plsc.addupdate_scatter(cr_v, [ridx[sl]], ones)
            plsc.addupdate_scatter(cc_v, [cidx[sl]], ones)
        pltpu.sync_copy(ea_v, a_sh.at[ridx], add=True)
        return carry

    lax.fori_loop(0, _NCS, step, 0)
    plsc.subcore_barrier()
    pltpu.sync_copy(cr_v, cr_out.at[pl.ds(wid * NP, NP)])
    pltpu.sync_copy(cc_v, cc_out.at[pl.ds(wid * NP, NP)])
    pltpu.sync_copy(a_sh.at[pl.ds(sid * RPT, RPT)],
                    a_out.at[cid, pl.ds(sid * RPT, RPT)])


_sc_stats = pl.kernel(
    _sc_stats_body,
    out_type=(
        jax.ShapeDtypeStruct((NW * NP,), _f32),
        jax.ShapeDtypeStruct((NW * NP,), _f32),
        jax.ShapeDtypeStruct((NC, NP, DE), _f32),
    ),
    mesh=_SC_MESH,
    scratch_types=[
        pltpu.VMEM((_CGS,), jnp.int32),
        pltpu.VMEM((_CGS,), jnp.int32),
        pltpu.VMEM((_CGS, DE), _f32),
        pltpu.VMEM((NP,), _f32),
        pltpu.VMEM((NP,), _f32),
        pltpu.VMEM_SHARED((NP, DE), _f32),
        pltpu.SemaphoreType.DMA,
    ],
    compiler_params=_SC_PARAMS,
)


_TB2 = 2048
_NT2 = NP // _TB2


_PK = EP // 8
_EB2 = 8192
_NB2 = _PK // _EB2


def _tc_ea_body(pk_ref, sea_ref, gram_ref, sea_acc, g_acc):
    i = pl.program_id(0)

    @pl.when(i == 0)
    def _init():
        sea_acc[...] = jnp.zeros_like(sea_acc)
        g_acc[...] = jnp.zeros_like(g_acc)

    blk = pk_ref[...]
    sea_acc[...] += jnp.sum(blk, axis=0, keepdims=True)
    g_acc[...] += lax.dot_general(
        blk, blk, (((0,), (0,)), ((), ())),
        precision=_HI, preferred_element_type=_f32)

    @pl.when(i == _NB2 - 1)
    def _finish():
        sea = jnp.zeros((1, DE), _f32)
        gram = jnp.zeros((DE, DE), _f32)
        for s in range(8):
            sea = sea + sea_acc[:, s * DE:(s + 1) * DE]
            gram = gram + g_acc[s * DE:(s + 1) * DE, s * DE:(s + 1) * DE]
        sea_ref[...] = sea
        gram_ref[...] = gram


def _tc_ea(pk):
    return pl.pallas_call(
        _tc_ea_body,
        grid=(_NB2,),
        in_specs=[pl.BlockSpec((_EB2, 8 * DE), lambda i: (i, 0))],
        out_specs=[
            pl.BlockSpec((1, DE), lambda i: (0, 0)),
            pl.BlockSpec((DE, DE), lambda i: (0, 0)),
        ],
        out_shape=[
            jax.ShapeDtypeStruct((1, DE), _f32),
            jax.ShapeDtypeStruct((DE, DE), _f32),
        ],
        scratch_shapes=[
            pltpu.VMEM((1, 8 * DE), _f32),
            pltpu.VMEM((8 * DE, 8 * DE), _f32),
        ],
    )(pk)


def _tc_prep_body(x_ref, crp_ref, ap_ref, sea_ref, gram_ref, w1_ref,
                  b1_ref, g1_ref, be1_ref,
                  yp_ref, w1bp_ref, cvec_ref,
                  cr_scr):
    w1a = w1_ref[:D]
    w1b = w1_ref[D:]
    b1 = b1_ref[...]
    cr_scr[...] = jnp.sum(crp_ref[...], axis=0, keepdims=True)
    sea = sea_ref[...]
    gram = gram_ref[...]

    def _stat_tile(t, carry):
        cry, cry2, cya = carry
        off = pl.multiple_of(t * _TB2, _TB2)
        sl = pl.ds(off, _TB2)
        y_t = _dot(x_ref[sl], w1a)
        cr_t = cr_scr[:, pl.ds(off, _TB2)]
        a_t = ap_ref[0, sl] + ap_ref[1, sl]
        cry = cry + _dot(cr_t, y_t)
        cry2 = cry2 + _dot(cr_t, y_t * y_t)
        cya = cya + jnp.sum(y_t * _dot(a_t, w1b), axis=0, keepdims=True)
        return cry, cry2, cya

    zed = jnp.zeros((1, L), _f32)
    cry, cry2, cya = lax.fori_loop(0, _NT2, _stat_tile, (zed, zed, zed))
    seaw = _dot(sea, w1b)
    quad = jnp.sum(w1b * _dot(gram, w1b), axis=0, keepdims=True)
    s1 = cry + seaw + E * b1
    s2 = (cry2 + 2.0 * cya + 2.0 * b1 * cry + quad
          + 2.0 * b1 * seaw + E * b1 * b1)
    m = s1 / E
    v = s2 / E - m * m
    ghat = g1_ref[...] * lax.rsqrt(v + 1e-5)
    cvec_ref[...] = (b1 - m) * ghat + be1_ref[...]
    w1bp_ref[...] = w1b * ghat

    def _write_tile(t, carry):
        sl = pl.ds(pl.multiple_of(t * _TB2, _TB2), _TB2)
        yp_ref[sl] = _dot(x_ref[sl], w1a) * ghat
        return carry

    lax.fori_loop(0, _NT2, _write_tile, 0)


def _tc_prep(x, crp, ap, sea, gram, w1, b1r, g1r, be1r):
    return pl.pallas_call(
        _tc_prep_body,
        grid=(1,),
        in_specs=[
            pl.BlockSpec((NP, D), lambda i: (0, 0)),
            pl.BlockSpec((NW, NP), lambda i: (0, 0)),
            pl.BlockSpec((NC, NP, DE), lambda i: (0, 0, 0)),
            pl.BlockSpec((1, DE), lambda i: (0, 0)),
            pl.BlockSpec((DE, DE), lambda i: (0, 0)),
            pl.BlockSpec((ENTRY, L), lambda i: (0, 0)),
            pl.BlockSpec((1, L), lambda i: (0, 0)),
            pl.BlockSpec((1, L), lambda i: (0, 0)),
            pl.BlockSpec((1, L), lambda i: (0, 0)),
        ],
        out_specs=[
            pl.BlockSpec((NP, L), lambda i: (0, 0)),
            pl.BlockSpec((DE, L), lambda i: (0, 0)),
            pl.BlockSpec((1, L), lambda i: (0, 0)),
        ],
        out_shape=[
            jax.ShapeDtypeStruct((NP, L), _f32),
            jax.ShapeDtypeStruct((DE, L), _f32),
            jax.ShapeDtypeStruct((1, L), _f32),
        ],
        scratch_shapes=[
            pltpu.VMEM((1, NP), _f32),
        ],
    )(x, crp, ap, sea, gram, w1, b1r, g1r, be1r)


_EB3 = 2048
_NB3 = _PK // _EB3


def _tc_z_body(pk_ref, w_ref, c_ref, z_ref):
    z_ref[...] = lax.dot(pk_ref[...], w_ref[...],
                         preferred_element_type=_f32) + c_ref[...]


def _tc_z(pk, w_big, cvec8):
    return pl.pallas_call(
        _tc_z_body,
        grid=(_NB3,),
        in_specs=[
            pl.BlockSpec((_EB3, 8 * DE), lambda i: (i, 0)),
            pl.BlockSpec((8 * DE, 8 * L), lambda i: (0, 0)),
            pl.BlockSpec((1, 8 * L), lambda i: (0, 0)),
        ],
        out_specs=pl.BlockSpec((_EB3, 8 * L), lambda i: (i, 0)),
        out_shape=jax.ShapeDtypeStruct((_PK, 8 * L), _f32),
    )(pk, w_big, cvec8)


_CG4 = 128
_NCH = NP // _CG4


def _sc_edge_body(row_flat, col_flat, yp_hbm, zp_hbm, zero_acc,
                  accp_out,
                  ridx, cidx, rows, zv, acc_sh, sem_a, sem_g):
    cid = lax.axis_index("c")
    sid = lax.axis_index("s")
    wid = sid * NC + cid
    base0 = wid * NP
    pltpu.sync_copy(zero_acc.at[pl.ds(sid * RPT, RPT)],
                    acc_sh.at[pl.ds(sid * RPT, RPT)])
    plsc.subcore_barrier()

    def step(k, carry):
        base = base0 + k * _CG4
        d1 = pltpu.async_copy(row_flat.at[pl.ds(base, _CG4)], ridx, sem_a)
        d2 = pltpu.async_copy(col_flat.at[pl.ds(base, _CG4)], cidx, sem_a)
        d3 = pltpu.async_copy(zp_hbm.at[pl.ds(base, _CG4)], zv, sem_a)
        d1.wait()
        gat = pltpu.async_copy(yp_hbm.at[ridx], rows, sem_g)
        d2.wait()
        d3.wait()
        gat.wait()

        def body(i, c2):
            for q in range(L // 16):
                sl = pl.ds(q * 16, 16)
                rows[i, sl] = jnp.maximum(rows[i, sl] + zv[i, sl], 0.0)
            return c2

        lax.fori_loop(0, _CG4, body, 0)
        pltpu.sync_copy(rows, acc_sh.at[cidx], add=True)
        return carry

    lax.fori_loop(0, _NCH, step, 0)
    plsc.subcore_barrier()
    pltpu.sync_copy(acc_sh.at[pl.ds(sid * RPT, RPT)],
                    accp_out.at[cid, pl.ds(sid * RPT, RPT)])


_sc_edge = pl.kernel(
    _sc_edge_body,
    out_type=jax.ShapeDtypeStruct((NC, NP, L), _f32),
    mesh=_SC_MESH,
    scratch_types=[
        pltpu.VMEM((_CG4,), jnp.int32),
        pltpu.VMEM((_CG4,), jnp.int32),
        pltpu.VMEM((_CG4, L), _f32),
        pltpu.VMEM((_CG4, L), _f32),
        pltpu.VMEM_SHARED((NP, L), _f32),
        pltpu.SemaphoreType.DMA,
        pltpu.SemaphoreType.DMA,
    ],
    compiler_params=_SC_PARAMS,
)


_TB5 = 2000
_NT5 = N // _TB5


def _tc_node_body(x_ref, accp_ref, ccpt_ref, w2_ref, b2_ref, g2_ref,
                  be2_ref, w3_ref, b3_ref, out_ref, t_scr):
    w2a = w2_ref[:D]
    w2b = w2_ref[D:]
    s1 = jnp.zeros((1, SECOND), _f32)
    s2 = jnp.zeros((1, SECOND), _f32)
    for t in range(_NT5):
        sl = pl.ds(t * _TB5, _TB5)
        cnt = jnp.sum(ccpt_ref[sl], axis=1, keepdims=True)
        mean = (accp_ref[0, sl] + accp_ref[1, sl]) / jnp.maximum(cnt, 1.0)
        tt = _dot(x_ref[sl], w2a) + _dot(mean, w2b) + b2_ref[...]
        t_scr[sl] = tt
        s1 = s1 + jnp.sum(tt, axis=0, keepdims=True)
        s2 = s2 + jnp.sum(tt * tt, axis=0, keepdims=True)
    m2 = s1 / N
    v2 = s2 / N - m2 * m2
    scale = lax.rsqrt(v2 + 1e-5) * g2_ref[...]
    for t in range(_NT5):
        sl = pl.ds(t * _TB5, _TB5)
        tt = jnp.maximum((t_scr[sl] - m2) * scale + be2_ref[...], 0.0)
        out_ref[sl] = jnp.maximum(_dot(tt, w3_ref[...]) + b3_ref[...], 0.0)


def _tc_node(x, accp, ccpt, w2, b2r, g2r, be2r, w3, b3r):
    return pl.pallas_call(
        _tc_node_body,
        grid=(1,),
        in_specs=[
            pl.BlockSpec((N, D), lambda i: (0, 0)),
            pl.BlockSpec((NC, N, L), lambda i: (0, 0, 0)),
            pl.BlockSpec((N, NW), lambda i: (0, 0)),
            pl.BlockSpec((SECOND, SECOND), lambda i: (0, 0)),
            pl.BlockSpec((1, SECOND), lambda i: (0, 0)),
            pl.BlockSpec((1, SECOND), lambda i: (0, 0)),
            pl.BlockSpec((1, SECOND), lambda i: (0, 0)),
            pl.BlockSpec((SECOND, D), lambda i: (0, 0)),
            pl.BlockSpec((1, D), lambda i: (0, 0)),
        ],
        out_specs=pl.BlockSpec((N, D), lambda i: (0, 0)),
        out_shape=jax.ShapeDtypeStruct((N, D), _f32),
        scratch_shapes=[pltpu.VMEM((N, SECOND), _f32)],
    )(x, accp, ccpt, w2, b2r, g2r, be2r, w3, b3r)


def kernel(x, edge_index, edge_attr, u, batch,
           W1, b1, g1, be1, W2, b2, g2, be2, W3, b3):
    del u, batch
    npad = NP - N
    epad = EP - E
    pad_nodes = N + (jnp.arange(epad, dtype=jnp.int32) % npad)
    row_flat = jnp.concatenate([edge_index[0], pad_nodes])
    col_flat = jnp.concatenate([edge_index[1], pad_nodes])
    ea_pad = jnp.concatenate(
        [edge_attr, jnp.zeros((epad, DE), _f32)], axis=0)
    x_pad = jnp.concatenate([x, jnp.zeros((npad, D), _f32)], axis=0)
    zero_n = jnp.zeros((NP,), _f32)
    zero_a = jnp.zeros((NP, DE), _f32)
    zero_acc = jnp.zeros((NP, L), _f32)
    b1r = b1.reshape(1, L)
    g1r = g1.reshape(1, L)
    be1r = be1.reshape(1, L)
    b2r = b2.reshape(1, SECOND)
    g2r = g2.reshape(1, SECOND)
    be2r = be2.reshape(1, SECOND)
    b3r = b3.reshape(1, D)

    cr_f, cc_f, ap = _sc_stats(row_flat, col_flat, ea_pad, zero_n, zero_a)
    crp = cr_f.reshape(NW, NP)
    pack = ea_pad.reshape(_PK, 8 * DE)
    sea, gram = _tc_ea(pack)
    yp, w1bp, cvec = _tc_prep(x_pad, crp, ap, sea, gram, W1, b1r, g1r, be1r)
    eye8 = jnp.eye(8, dtype=_f32)
    w_big = (eye8[:, None, :, None]
             * w1bp[None, :, None, :]).reshape(8 * DE, 8 * L)
    cvec8 = jnp.tile(cvec, (1, 8))
    zp = _tc_z(pack, w_big, cvec8).reshape(EP, L)
    accp = _sc_edge(row_flat, col_flat, yp, zp, zero_acc)
    ccpt = cc_f.reshape(NW, NP).T
    return _tc_node(x, accp, ccpt, W2, b2r, g2r, be2r, W3, b3r)

# --- scband reference (transcript-rebuilt; emitter-appended) ---
"""Pipeline reference for scband-node-model-23673859735571 (READ-ONLY COPY).

The authoritative reference and input builder live on the scoring server;
editing this copy changes nothing except your own understanding.
"""

import jax, jax.numpy as jnp
import numpy as np

N = 10000
E = 320000
D = 128   # node_feature_size
DE = 16   # edge_feature_size
L = 128   # layer_size
ENTRY = D + DE      # 144
SECOND = D + L      # 256


def _bn(h, g, b):
    # BatchNorm1d in training mode: batch statistics, biased variance, eps=1e-5
    m = jnp.mean(h, axis=0)
    v = jnp.mean((h - m) ** 2, axis=0)
    return (h - m) / jnp.sqrt(v + 1e-5) * g + b


def setup_inputs(seed: int = 0) -> dict:
    key = jax.random.key(seed)
    ks = jax.random.split(key, 12)
    inp = {}
    inp["x"] = jax.random.normal(ks[0], (N, D), dtype=jnp.float32)
    inp["edge_index"] = jax.random.randint(ks[1], (2, E), 0, N, dtype=jnp.int32)
    inp["edge_attr"] = jax.random.normal(ks[2], (E, DE), dtype=jnp.float32)
    inp["u"] = jax.random.normal(ks[3], (1, D), dtype=jnp.float32)
    inp["batch"] = jnp.zeros((N,), dtype=jnp.int32)
    # learned parameters
    inp["W1"] = jax.random.normal(ks[4], (ENTRY, L), dtype=jnp.float32) * 0.05
    inp["b1"] = jnp.zeros((L,), dtype=jnp.float32)
    inp["g1"] = jnp.ones((L,), dtype=jnp.float32)
    inp["be1"] = jnp.zeros((L,), dtype=jnp.float32)
    inp["W2"] = jax.random.normal(ks[5], (SECOND, SECOND), dtype=jnp.float32) * 0.05
    inp["b2"] = jnp.zeros((SECOND,), dtype=jnp.float32)
    inp["g2"] = jnp.ones((SECOND,), dtype=jnp.float32)
    inp["be2"] = jnp.zeros((SECOND,), dtype=jnp.float32)
    inp["W3"] = jax.random.normal(ks[6], (SECOND, D), dtype=jnp.float32) * 0.05
    inp["b3"] = jnp.zeros((D,), dtype=jnp.float32)
    return inp


def reference(x, edge_index, edge_attr, u, batch, W1, b1, g1, be1, W2, b2, g2, be2, W3, b3):
    row = edge_index[0]
    col = edge_index[1]
    # gather source node features, concat with edge features
    out = jnp.concatenate([jnp.take(x, row, axis=0), edge_attr], axis=1)
    # node_mlp_1: Linear -> BatchNorm1d -> ReLU
    out = jax.nn.relu(_bn(out @ W1 + b1, g1, be1))
    # scatter mean over destination nodes
    s = jax.ops.segment_sum(out, col, num_segments=x.shape[0])
    cnt = jax.ops.segment_sum(jnp.ones((col.shape[0],), dtype=out.dtype), col, num_segments=x.shape[0])
    out = s / jnp.maximum(cnt, 1.0)[:, None]
    # concat with node features
    out = jnp.concatenate([x, out], axis=1)
    # node_mlp_2: Linear -> BatchNorm1d -> ReLU
    out = jax.nn.relu(_bn(out @ W2 + b2, g2, be2))
    # final linear + ReLU
    out = out @ W3 + b3
    return jax.nn.relu(out)

if __name__ == "__main__":
    import jax
    _d = setup_inputs()
    print(jax.jit(kernel)(*tuple(_d.values())))

</pallas_src>

<mosaic_0001>
#map = affine_map<(d0, d1) -> (0)>
#map1 = affine_map<(d0, d1) -> (0, 0)>
#map2 = affine_map<(d0, d1) -> (0, 0, 0)>
module attributes {stable_mosaic.version = 14 : i64} {
  func.func @_sc_edge_body(%arg0: i32, %arg1: i32, %arg2: memref<327680xi32, #tpu.memory_space<hbm>>, %arg3: memref<327680xi32, #tpu.memory_space<hbm>>, %arg4: memref<10240x128xf32, #tpu.memory_space<hbm>>, %arg5: memref<327680x128xf32, #tpu.memory_space<hbm>>, %arg6: memref<10240x128xf32, #tpu.memory_space<hbm>>, %arg7: memref<2x10240x128xf32, #tpu.memory_space<hbm>>, %arg8: memref<128xi32, #tpu.memory_space<vmem>>, %arg9: memref<128xi32, #tpu.memory_space<vmem>>, %arg10: memref<128x128xf32, #tpu.memory_space<vmem>>, %arg11: memref<128x128xf32, #tpu.memory_space<vmem>>, %arg12: memref<10240x128xf32, #tpu.memory_space<vmem_shared>>, %arg13: memref<!tpu.dma_semaphore, #tpu.memory_space<semaphore_mem>>, %arg14: memref<!tpu.dma_semaphore, #tpu.memory_space<semaphore_mem>>) attributes {dimension_semantics = [#tpu.dimension_semantics<core_parallel>, #tpu.dimension_semantics<subcore_parallel>], iteration_bounds = array<i64: 2, 16>, scalar_prefetch = 0 : i64, scratch_operands = 7 : i64, tpu.core_type = #tpu.core_type<sc_vector_subcore>, window_params = [{transform_indices = #map}, {transform_indices = #map}, {transform_indices = #map1}, {transform_indices = #map1}, {transform_indices = #map1}, {transform_indices = #map2}]} {
    %mul3A = arith.constant 2 : i32
    %mul3A_0 = arith.muli %arg1, %mul3A : i32
    %add3A = arith.addi %mul3A_0, %arg0 : i32
    %mul3A_1 = arith.constant 10240 : i32
    %mul3A_2 = arith.muli %add3A, %mul3A_1 : i32
    %mul3A_3 = arith.constant 640 : i32
    %mul3A_4 = arith.muli %arg1, %mul3A_3 : i32
    %mul3A_5 = arith.constant 640 : i32
    %mul3A_6 = arith.muli %arg1, %mul3A_5 : i32
    "tpu.region"() ({
      %run_scoped3A = tpu.sem_alloc : memref<!tpu.dma_semaphore, #tpu.memory_space<semaphore_mem>>
      %dma_start3A = arith.constant 0 : i32
      %dma_start3A_17 = tpu.memref_slice %arg12[%mul3A_6, %dma_start3A] : memref<10240x128xf32, #tpu.memory_space<vmem_shared>> -> memref<640x128xf32, #tpu.memory_space<vmem_shared>>
      %dma_start3A_18 = arith.constant 0 : i32
      %dma_start3A_19 = tpu.memref_slice %arg6[%mul3A_4, %dma_start3A_18] : memref<10240x128xf32, #tpu.memory_space<hbm>> -> memref<640x128xf32, #tpu.memory_space<hbm>>
      tpu.enqueue_dma source(%dma_start3A_19 : memref<640x128xf32, #tpu.memory_space<hbm>>) target(%dma_start3A_17 : memref<640x128xf32, #tpu.memory_space<vmem_shared>>) target_semaphore(%run_scoped3A : memref<!tpu.dma_semaphore, #tpu.memory_space<semaphore_mem>>)
      %dma_wait3A = arith.constant 0 : i32
      %dma_wait3A_20 = tpu.memref_slice %arg12[%mul3A_6, %dma_wait3A] : memref<10240x128xf32, #tpu.memory_space<vmem_shared>> -> memref<640x128xf32, #tpu.memory_space<vmem_shared>>
      %dma_wait3A_21 = arith.constant 0 : i32
      %dma_wait3A_22 = tpu.memref_slice %arg6[%mul3A_4, %dma_wait3A_21] : memref<10240x128xf32, #tpu.memory_space<hbm>> -> memref<640x128xf32, #tpu.memory_space<hbm>>
      tpu.wait_dma2 semaphore(%run_scoped3A : memref<!tpu.dma_semaphore, #tpu.memory_space<semaphore_mem>>) src(%dma_wait3A_22 : memref<640x128xf32, #tpu.memory_space<hbm>>) dst(%dma_wait3A_20 : memref<640x128xf32, #tpu.memory_space<vmem_shared>>)
      tpu.yield
    }) : () -> ()
    %barrier3A = arith.constant 0 : index
    tpu.barrier barrier_id(%barrier3A)
    %scan3A = arith.constant 0 : i32
    %scan3A_7 = arith.constant 0 : i32
    %scan3A_8 = arith.constant 80 : i32
    %scan3A_9 = arith.addi %scan3A_7, %scan3A_8 : i32
    %scan3A_10 = arith.constant 1 : i32
    scf.for %scan3A_17 = %scan3A_7 to %scan3A_9 step %scan3A_10  : i32 {
      %mul3A_18 = arith.constant 128 : i32
      %mul3A_19 = arith.muli %scan3A_17, %mul3A_18 : i32
      %add3A_20 = arith.addi %mul3A_2, %mul3A_19 : i32
      %dma_start3A = tpu.memref_slice %arg2[%add3A_20] : memref<327680xi32, #tpu.memory_space<hbm>> -> memref<128xi32, #tpu.memory_space<hbm>>
      %dma_start3A_21 = tpu.memref_slice %arg2[%add3A_20] : memref<327680xi32, #tpu.memory_space<hbm>> -> memref<128xi32, #tpu.memory_space<hbm>>
      tpu.enqueue_dma source(%dma_start3A_21 : memref<128xi32, #tpu.memory_space<hbm>>) target(%arg8 : memref<128xi32, #tpu.memory_space<vmem>>) target_semaphore(%arg13 : memref<!tpu.dma_semaphore, #tpu.memory_space<semaphore_mem>>)
      %dma_start3A_22 = tpu.memref_slice %arg3[%add3A_20] : memref<327680xi32, #tpu.memory_space<hbm>> -> memref<128xi32, #tpu.memory_space<hbm>>
      %dma_start3A_23 = tpu.memref_slice %arg3[%add3A_20] : memref<327680xi32, #tpu.memory_space<hbm>> -> memref<128xi32, #tpu.memory_space<hbm>>
      tpu.enqueue_dma source(%dma_start3A_23 : memref<128xi32, #tpu.memory_space<hbm>>) target(%arg9 : memref<128xi32, #tpu.memory_space<vmem>>) target_semaphore(%arg13 : memref<!tpu.dma_semaphore, #tpu.memory_space<semaphore_mem>>)
      %dma_start3A_24 = arith.constant 0 : i32
      %dma_start3A_25 = tpu.memref_slice %arg5[%add3A_20, %dma_start3A_24] : memref<327680x128xf32, #tpu.memory_space<hbm>> -> memref<128x128xf32, #tpu.memory_space<hbm>>
      %dma_start3A_26 = arith.constant 0 : i32
      %dma_start3A_27 = tpu.memref_slice %arg5[%add3A_20, %dma_start3A_26] : memref<327680x128xf32, #tpu.memory_space<hbm>> -> memref<128x128xf32, #tpu.memory_space<hbm>>
      tpu.enqueue_dma source(%dma_start3A_27 : memref<128x128xf32, #tpu.memory_space<hbm>>) target(%arg11 : memref<128x128xf32, #tpu.memory_space<vmem>>) target_semaphore(%arg13 : memref<!tpu.dma_semaphore, #tpu.memory_space<semaphore_mem>>)
      %dma_wait3A = tpu.memref_slice %arg2[%add3A_20] : memref<327680xi32, #tpu.memory_space<hbm>> -> memref<128xi32, #tpu.memory_space<hbm>>
      %dma_wait3A_28 = tpu.memref_slice %arg2[%add3A_20] : memref<327680xi32, #tpu.memory_space<hbm>> -> memref<128xi32, #tpu.memory_space<hbm>>
      tpu.wait_dma2 semaphore(%arg13 : memref<!tpu.dma_semaphore, #tpu.memory_space<semaphore_mem>>) src(%dma_wait3A_28 : memref<128xi32, #tpu.memory_space<hbm>>) dst(%arg8 : memref<128xi32, #tpu.memory_space<vmem>>)
      %dma_start3A_29 = arith.constant 0 : i32
      %dma_start3A_30 = arith.constant 0 : i32
      %dma_start3A_31 = tpu.memref_slice %arg4[%dma_start3A_29, %dma_start3A_30] : memref<10240x128xf32, #tpu.memory_space<hbm>> -> memref<10240x128xf32, #tpu.memory_space<hbm>>
      tpu.enqueue_indirect_dma source(%dma_start3A_31 : memref<10240x128xf32, #tpu.memory_space<hbm>>) target(%arg10 : memref<128x128xf32, #tpu.memory_space<vmem>>) offsets(%arg8 : memref<128xi32, #tpu.memory_space<vmem>>) semaphore(%arg14 : memref<!tpu.dma_semaphore, #tpu.memory_space<semaphore_mem>>)
      %dma_wait3A_32 = tpu.memref_slice %arg3[%add3A_20] : memref<327680xi32, #tpu.memory_space<hbm>> -> memref<128xi32, #tpu.memory_space<hbm>>
      %dma_wait3A_33 = tpu.memref_slice %arg3[%add3A_20] : memref<327680xi32, #tpu.memory_space<hbm>> -> memref<128xi32, #tpu.memory_space<hbm>>
      tpu.wait_dma2 semaphore(%arg13 : memref<!tpu.dma_semaphore, #tpu.memory_space<semaphore_mem>>) src(%dma_wait3A_33 : memref<128xi32, #tpu.memory_space<hbm>>) dst(%arg9 : memref<128xi32, #tpu.memory_space<vmem>>)
      %dma_wait3A_34 = arith.constant 0 : i32
      %dma_wait3A_35 = tpu.memref_slice %arg5[%add3A_20, %dma_wait3A_34] : memref<327680x128xf32, #tpu.memory_space<hbm>> -> memref<128x128xf32, #tpu.memory_space<hbm>>
      %dma_wait3A_36 = arith.constant 0 : i32
      %dma_wait3A_37 = tpu.memref_slice %arg5[%add3A_20, %dma_wait3A_36] : memref<327680x128xf32, #tpu.memory_space<hbm>> -> memref<128x128xf32, #tpu.memory_space<hbm>>
      tpu.wait_dma2 semaphore(%arg13 : memref<!tpu.dma_semaphore, #tpu.memory_space<semaphore_mem>>) src(%dma_wait3A_37 : memref<128x128xf32, #tpu.memory_space<hbm>>) dst(%arg11 : memref<128x128xf32, #tpu.memory_space<vmem>>)
      %dma_wait3A_38 = arith.constant 0 : i32
      %dma_wait3A_39 = arith.constant 0 : i32
      %dma_wait3A_40 = tpu.memref_slice %arg4[%dma_wait3A_38, %dma_wait3A_39] : memref<10240x128xf32, #tpu.memory_space<hbm>> -> memref<10240x128xf32, #tpu.memory_space<hbm>>
      tpu.wait_indirect_dma semaphore(%arg14 : memref<!tpu.dma_semaphore, #tpu.memory_space<semaphore_mem>>) src(%dma_wait3A_40 : memref<10240x128xf32, #tpu.memory_space<hbm>>) dst(%arg10 : memref<128x128xf32, #tpu.memory_space<vmem>>)
      %scan3A_41 = arith.constant 0 : i32
      %scan3A_42 = arith.constant 0 : i32
      %scan3A_43 = arith.constant 128 : i32
      %scan3A_44 = arith.addi %scan3A_42, %scan3A_43 : i32
      %scan3A_45 = arith.constant 1 : i32
      scf.for %scan3A_47 = %scan3A_42 to %scan3A_44 step %scan3A_45  : i32 {
        %get3A = arith.index_cast %scan3A_47 : i32 to index
        %get3A_48 = arith.constant 0 : index
        %get3A_49 = tpu.vector_load %arg10[%get3A, %get3A_48] {strides = array<i32>} : memref<128x128xf32, #tpu.memory_space<vmem>>, vector<16xf32>,
        %get3A_50 = arith.index_cast %scan3A_47 : i32 to index
        %get3A_51 = arith.constant 0 : index
        %get3A_52 = tpu.vector_load %arg11[%get3A_50, %get3A_51] {strides = array<i32>} : memref<128x128xf32, #tpu.memory_space<vmem>>, vector<16xf32>,
        %add3A_53 = arith.addf %get3A_49, %get3A_52 : vector<16xf32>
        %max3A = arith.constant 0.000000e+00 : f32
        %max3A_54 = vector.broadcast %max3A : f32 to vector<16xf32>
        %max3A_55 = arith.maximumf %add3A_53, %max3A_54 : vector<16xf32>
        %swap3A = arith.index_cast %scan3A_47 : i32 to index
        %swap3A_56 = arith.constant 0 : index
        %swap3A_57 = tpu.vector_load %arg10[%swap3A, %swap3A_56] {strides = array<i32>} : memref<128x128xf32, #tpu.memory_space<vmem>>, vector<16xf32>,
        tpu.vector_store %arg10[%swap3A, %swap3A_56], %max3A_55 {strides = array<i32>} : memref<128x128xf32, #tpu.memory_space<vmem>>, vector<16xf32>,
        %get3A_58 = arith.index_cast %scan3A_47 : i32 to index
        %get3A_59 = arith.constant 16 : index
        %get3A_60 = tpu.vector_load %arg10[%get3A_58, %get3A_59] {strides = array<i32>} : memref<128x128xf32, #tpu.memory_space<vmem>>, vector<16xf32>,
        %get3A_61 = arith.index_cast %scan3A_47 : i32 to index
        %get3A_62 = arith.constant 16 : index
        %get3A_63 = tpu.vector_load %arg11[%get3A_61, %get3A_62] {strides = array<i32>} : memref<128x128xf32, #tpu.memory_space<vmem>>, vector<16xf32>,
        %add3A_64 = arith.addf %get3A_60, %get3A_63 : vector<16xf32>
        %max3A_65 = arith.constant 0.000000e+00 : f32
        %max3A_66 = vector.broadcast %max3A_65 : f32 to vector<16xf32>
        %max3A_67 = arith.maximumf %add3A_64, %max3A_66 : vector<16xf32>
        %swap3A_68 = arith.index_cast %scan3A_47 : i32 to index
        %swap3A_69 = arith.constant 16 : index
        %swap3A_70 = tpu.vector_load %arg10[%swap3A_68, %swap3A_69] {strides = array<i32>} : memref<128x128xf32, #tpu.memory_space<vmem>>, vector<16xf32>,
        tpu.vector_store %arg10[%swap3A_68, %swap3A_69], %max3A_67 {strides = array<i32>} : memref<128x128xf32, #tpu.memory_space<vmem>>, vector<16xf32>,
        %get3A_71 = arith.index_cast %scan3A_47 : i32 to index
        %get3A_72 = arith.constant 32 : index
        %get3A_73 = tpu.vector_load %arg10[%get3A_71, %get3A_72] {strides = array<i32>} : memref<128x128xf32, #tpu.memory_space<vmem>>, vector<16xf32>,
        %get3A_74 = arith.index_cast %scan3A_47 : i32 to index
        %get3A_75 = arith.constant 32 : index
        %get3A_76 = tpu.vector_load %arg11[%get3A_74, %get3A_75] {strides = array<i32>} : memref<128x128xf32, #tpu.memory_space<vmem>>, vector<16xf32>,
        %add3A_77 = arith.addf %get3A_73, %get3A_76 : vector<16xf32>
        %max3A_78 = arith.constant 0.000000e+00 : f32
        %max3A_79 = vector.broadcast %max3A_78 : f32 to vector<16xf32>
        %max3A_80 = arith.maximumf %add3A_77, %max3A_79 : vector<16xf32>
        %swap3A_81 = arith.index_cast %scan3A_47 : i32 to index
        %swap3A_82 = arith.constant 32 : index
        %swap3A_83 = tpu.vector_load %arg10[%swap3A_81, %swap3A_82] {strides = array<i32>} : memref<128x128xf32, #tpu.memory_space<vmem>>, vector<16xf32>,
        tpu.vector_store %arg10[%swap3A_81, %swap3A_82], %max3A_80 {strides = array<i32>} : memref<128x128xf32, #tpu.memory_space<vmem>>, vector<16xf32>,
        %get3A_84 = arith.index_cast %scan3A_47 : i32 to index
        %get3A_85 = arith.constant 48 : index
        %get3A_86 = tpu.vector_load %arg10[%get3A_84, %get3A_85] {strides = array<i32>} : memref<128x128xf32, #tpu.memory_space<vmem>>, vector<16xf32>,
        %get3A_87 = arith.index_cast %scan3A_47 : i32 to index
        %get3A_88 = arith.constant 48 : index
        %get3A_89 = tpu.vector_load %arg11[%get3A_87, %get3A_88] {strides = array<i32>} : memref<128x128xf32, #tpu.memory_space<vmem>>, vector<16xf32>,
        %add3A_90 = arith.addf %get3A_86, %get3A_89 : vector<16xf32>
        %max3A_91 = arith.constant 0.000000e+00 : f32
        %max3A_92 = vector.broadcast %max3A_91 : f32 to vector<16xf32>
        %max3A_93 = arith.maximumf %add3A_90, %max3A_92 : vector<16xf32>
        %swap3A_94 = arith.index_cast %scan3A_47 : i32 to index
        %swap3A_95 = arith.constant 48 : index
        %swap3A_96 = tpu.vector_load %arg10[%swap3A_94, %swap3A_95] {strides = array<i32>} : memref<128x128xf32, #tpu.memory_space<vmem>>, vector<16xf32>,
        tpu.vector_store %arg10[%swap3A_94, %swap3A_95], %max3A_93 {strides = array<i32>} : memref<128x128xf32, #tpu.memory_space<vmem>>, vector<16xf32>,
        %get3A_97 = arith.index_cast %scan3A_47 : i32 to index
        %get3A_98 = arith.constant 64 : index
        %get3A_99 = tpu.vector_load %arg10[%get3A_97, %get3A_98] {strides = array<i32>} : memref<128x128xf32, #tpu.memory_space<vmem>>, vector<16xf32>,
        %get3A_100 = arith.index_cast %scan3A_47 : i32 to index
        %get3A_101 = arith.constant 64 : index
        %get3A_102 = tpu.vector_load %arg11[%get3A_100, %get3A_101] {strides = array<i32>} : memref<128x128xf32, #tpu.memory_space<vmem>>, vector<16xf32>,
        %add3A_103 = arith.addf %get3A_99, %get3A_102 : vector<16xf32>
        %max3A_104 = arith.constant 0.000000e+00 : f32
        %max3A_105 = vector.broadcast %max3A_104 : f32 to vector<16xf32>
        %max3A_106 = arith.maximumf %add3A_103, %max3A_105 : vector<16xf32>
        %swap3A_107 = arith.index_cast %scan3A_47 : i32 to index
        %swap3A_108 = arith.constant 64 : index
        %swap3A_109 = tpu.vector_load %arg10[%swap3A_107, %swap3A_108] {strides = array<i32>} : memref<128x128xf32, #tpu.memory_space<vmem>>, vector<16xf32>,
        tpu.vector_store %arg10[%swap3A_107, %swap3A_108], %max3A_106 {strides = array<i32>} : memref<128x128xf32, #tpu.memory_space<vmem>>, vector<16xf32>,
        %get3A_110 = arith.index_cast %scan3A_47 : i32 to index
        %get3A_111 = arith.constant 80 : index
        %get3A_112 = tpu.vector_load %arg10[%get3A_110, %get3A_111] {strides = array<i32>} : memref<128x128xf32, #tpu.memory_space<vmem>>, vector<16xf32>,
        %get3A_113 = arith.index_cast %scan3A_47 : i32 to index
        %get3A_114 = arith.constant 80 : index
        %get3A_115 = tpu.vector_load %arg11[%get3A_113, %get3A_114] {strides = array<i32>} : memref<128x128xf32, #tpu.memory_space<vmem>>, vector<16xf32>,
        %add3A_116 = arith.addf %get3A_112, %get3A_115 : vector<16xf32>
        %max3A_117 = arith.constant 0.000000e+00 : f32
        %max3A_118 = vector.broadcast %max3A_117 : f32 to vector<16xf32>
        %max3A_119 = arith.maximumf %add3A_116, %max3A_118 : vector<16xf32>
        %swap3A_120 = arith.index_cast %scan3A_47 : i32 to index
        %swap3A_121 = arith.constant 80 : index
        %swap3A_122 = tpu.vector_load %arg10[%swap3A_120, %swap3A_121] {strides = array<i32>} : memref<128x128xf32, #tpu.memory_space<vmem>>, vector<16xf32>,
        tpu.vector_store %arg10[%swap3A_120, %swap3A_121], %max3A_119 {strides = array<i32>} : memref<128x128xf32, #tpu.memory_space<vmem>>, vector<16xf32>,
        %get3A_123 = arith.index_cast %scan3A_47 : i32 to index
        %get3A_124 = arith.constant 96 : index
        %get3A_125 = tpu.vector_load %arg10[%get3A_123, %get3A_124] {strides = array<i32>} : memref<128x128xf32, #tpu.memory_space<vmem>>, vector<16xf32>,
        %get3A_126 = arith.index_cast %scan3A_47 : i32 to index
        %get3A_127 = arith.constant 96 : index
        %get3A_128 = tpu.vector_load %arg11[%get3A_126, %get3A_127] {strides = array<i32>} : memref<128x128xf32, #tpu.memory_space<vmem>>, vector<16xf32>,
        %add3A_129 = arith.addf %get3A_125, %get3A_128 : vector<16xf32>
        %max3A_130 = arith.constant 0.000000e+00 : f32
        %max3A_131 = vector.broadcast %max3A_130 : f32 to vector<16xf32>
        %max3A_132 = arith.maximumf %add3A_129, %max3A_131 : vector<16xf32>
        %swap3A_133 = arith.index_cast %scan3A_47 : i32 to index
        %swap3A_134 = arith.constant 96 : index
        %swap3A_135 = tpu.vector_load %arg10[%swap3A_133, %swap3A_134] {strides = array<i32>} : memref<128x128xf32, #tpu.memory_space<vmem>>, vector<16xf32>,
        tpu.vector_store %arg10[%swap3A_133, %swap3A_134], %max3A_132 {strides = array<i32>} : memref<128x128xf32, #tpu.memory_space<vmem>>, vector<16xf32>,
        %get3A_136 = arith.index_cast %scan3A_47 : i32 to index
        %get3A_137 = arith.constant 112 : index
        %get3A_138 = tpu.vector_load %arg10[%get3A_136, %get3A_137] {strides = array<i32>} : memref<128x128xf32, #tpu.memory_space<vmem>>, vector<16xf32>,
        %get3A_139 = arith.index_cast %scan3A_47 : i32 to index
        %get3A_140 = arith.constant 112 : index
        %get3A_141 = tpu.vector_load %arg11[%get3A_139, %get3A_140] {strides = array<i32>} : memref<128x128xf32, #tpu.memory_space<vmem>>, vector<16xf32>,
        %add3A_142 = arith.addf %get3A_138, %get3A_141 : vector<16xf32>
        %max3A_143 = arith.constant 0.000000e+00 : f32
        %max3A_144 = vector.broadcast %max3A_143 : f32 to vector<16xf32>
        %max3A_145 = arith.maximumf %add3A_142, %max3A_144 : vector<16xf32>
        %swap3A_146 = arith.index_cast %scan3A_47 : i32 to index
        %swap3A_147 = arith.constant 112 : index
        %swap3A_148 = tpu.vector_load %arg10[%swap3A_146, %swap3A_147] {strides = array<i32>} : memref<128x128xf32, #tpu.memory_space<vmem>>, vector<16xf32>,
        tpu.vector_store %arg10[%swap3A_146, %swap3A_147], %max3A_145 {strides = array<i32>} : memref<128x128xf32, #tpu.memory_space<vmem>>, vector<16xf32>,
      }
      %scan3A_46 = arith.constant 128 : i32
      "tpu.region"() ({
        %run_scoped3A = tpu.sem_alloc : memref<!tpu.dma_semaphore, #tpu.memory_space<semaphore_mem>>
        %dma_start3A_47 = arith.constant 0 : i32
        %dma_start3A_48 = arith.constant 0 : i32
        %dma_start3A_49 = tpu.memref_slice %arg12[%dma_start3A_47, %dma_start3A_48] : memref<10240x128xf32, #tpu.memory_space<vmem_shared>> -> memref<10240x128xf32, #tpu.memory_space<vmem_shared>>
        tpu.enqueue_indirect_dma source(%arg10 : memref<128x128xf32, #tpu.memory_space<vmem>>) target(%dma_start3A_49 : memref<10240x128xf32, #tpu.memory_space<vmem_shared>>) offsets(%arg9 : memref<128xi32, #tpu.memory_space<vmem>>) semaphore(%run_scoped3A : memref<!tpu.dma_semaphore, #tpu.memory_space<semaphore_mem>>) {add = true}
        %dma_wait3A_50 = arith.constant 0 : i32
        %dma_wait3A_51 = arith.constant 0 : i32
        %dma_wait3A_52 = tpu.memref_slice %arg12[%dma_wait3A_50, %dma_wait3A_51] : memref<10240x128xf32, #tpu.memory_space<vmem_shared>> -> memref<10240x128xf32, #tpu.memory_space<vmem_shared>>
        tpu.wait_indirect_dma semaphore(%run_scoped3A : memref<!tpu.dma_semaphore, #tpu.memory_space<semaphore_mem>>) src(%arg10 : memref<128x128xf32, #tpu.memory_space<vmem>>) dst(%dma_wait3A_52 : memref<10240x128xf32, #tpu.memory_space<vmem_shared>>)
        tpu.yield
      }) : () -> ()
    }
    %scan3A_11 = arith.constant 80 : i32
    %barrier3A_12 = arith.constant 0 : index
    tpu.barrier barrier_id(%barrier3A_12)
    %mul3A_13 = arith.constant 640 : i32
    %mul3A_14 = arith.muli %arg1, %mul3A_13 : i32
    %mul3A_15 = arith.constant 640 : i32
    %mul3A_16 = arith.muli %arg1, %mul3A_15 : i32
    "tpu.region"() ({
      %run_scoped3A = tpu.sem_alloc : memref<!tpu.dma_semaphore, #tpu.memory_space<semaphore_mem>>
      %dma_start3A = arith.constant 0 : i32
      %dma_start3A_17 = tpu.memref_slice %arg7[%arg0, %mul3A_16, %dma_start3A] : memref<2x10240x128xf32, #tpu.memory_space<hbm>> -> memref<1x640x128xf32, #tpu.memory_space<hbm>>
      %dma_start3A_18 = tpu.memref_squeeze %dma_start3A_17 : memref<1x640x128xf32, #tpu.memory_space<hbm>> -> memref<640x128xf32, #tpu.memory_space<hbm>>
      %dma_start3A_19 = arith.constant 0 : i32
      %dma_start3A_20 = tpu.memref_slice %arg12[%mul3A_14, %dma_start3A_19] : memref<10240x128xf32, #tpu.memory_space<vmem_shared>> -> memref<640x128xf32, #tpu.memory_space<vmem_shared>>
      tpu.enqueue_dma source(%dma_start3A_20 : memref<640x128xf32, #tpu.memory_space<vmem_shared>>) target(%dma_start3A_18 : memref<640x128xf32, #tpu.memory_space<hbm>>) target_semaphore(%run_scoped3A : memref<!tpu.dma_semaphore, #tpu.memory_space<semaphore_mem>>)
      %dma_wait3A = arith.constant 0 : i32
      %dma_wait3A_21 = tpu.memref_slice %arg7[%arg0, %mul3A_16, %dma_wait3A] : memref<2x10240x128xf32, #tpu.memory_space<hbm>> -> memref<1x640x128xf32, #tpu.memory_space<hbm>>
      %dma_wait3A_22 = tpu.memref_squeeze %dma_wait3A_21 : memref<1x640x128xf32, #tpu.memory_space<hbm>> -> memref<640x128xf32, #tpu.memory_space<hbm>>
      %dma_wait3A_23 = arith.constant 0 : i32
      %dma_wait3A_24 = tpu.memref_slice %arg12[%mul3A_14, %dma_wait3A_23] : memref<10240x128xf32, #tpu.memory_space<vmem_shared>> -> memref<640x128xf32, #tpu.memory_space<vmem_shared>>
      tpu.wait_dma2 semaphore(%run_scoped3A : memref<!tpu.dma_semaphore, #tpu.memory_space<semaphore_mem>>) src(%dma_wait3A_24 : memref<640x128xf32, #tpu.memory_space<vmem_shared>>) dst(%dma_wait3A_22 : memref<640x128xf32, #tpu.memory_space<hbm>>)
      tpu.yield
    }) : () -> ()
    return
  }
}

#map = affine_map<(d0, d1) -> (0)>
#map1 = affine_map<(d0, d1) -> (0, 0)>
#map2 = affine_map<(d0, d1) -> (0, 0, 0)>
module attributes {stable_mosaic.version = 14 : i64} {
  func.func @_sc_stats_body(%arg0: i32, %arg1: i32, %arg2: memref<327680xi32, #tpu.memory_space<hbm>>, %arg3: memref<327680xi32, #tpu.memory_space<hbm>>, %arg4: memref<327680x16xf32, #tpu.memory_space<hbm>>, %arg5: memref<10240xf32, #tpu.memory_space<hbm>>, %arg6: memref<10240x16xf32, #tpu.memory_space<hbm>>, %arg7: memref<327680xf32, #tpu.memory_space<hbm>>, %arg8: memref<327680xf32, #tpu.memory_space<hbm>>, %arg9: memref<2x10240x16xf32, #tpu.memory_space<hbm>>, %arg10: memref<128xi32, #tpu.memory_space<vmem>>, %arg11: memref<128xi32, #tpu.memory_space<vmem>>, %arg12: memref<128x16xf32, #tpu.memory_space<vmem>>, %arg13: memref<10240xf32, #tpu.memory_space<vmem>>, %arg14: memref<10240xf32, #tpu.memory_space<vmem>>, %arg15: memref<10240x16xf32, #tpu.memory_space<vmem_shared>>, %arg16: memref<!tpu.dma_semaphore, #tpu.memory_space<semaphore_mem>>) attributes {dimension_semantics = [#tpu.dimension_semantics<core_parallel>, #tpu.dimension_semantics<subcore_parallel>], iteration_bounds = array<i64: 2, 16>, scalar_prefetch = 0 : i64, scratch_operands = 7 : i64, tpu.core_type = #tpu.core_type<sc_vector_subcore>, window_params = [{transform_indices = #map}, {transform_indices = #map}, {transform_indices = #map1}, {transform_indices = #map}, {transform_indices = #map1}, {transform_indices = #map}, {transform_indices = #map}, {transform_indices = #map2}]} {
    %mul3A = arith.constant 2 : i32
    %mul3A_0 = arith.muli %arg1, %mul3A : i32
    %add3A = arith.addi %mul3A_0, %arg0 : i32
    %mul3A_1 = arith.constant 10240 : i32
    %mul3A_2 = arith.muli %add3A, %mul3A_1 : i32
    "tpu.region"() ({
      %run_scoped3A = tpu.sem_alloc : memref<!tpu.dma_semaphore, #tpu.memory_space<semaphore_mem>>
      tpu.enqueue_dma source(%arg5 : memref<10240xf32, #tpu.memory_space<hbm>>) target(%arg13 : memref<10240xf32, #tpu.memory_space<vmem>>) target_semaphore(%run_scoped3A : memref<!tpu.dma_semaphore, #tpu.memory_space<semaphore_mem>>)
      tpu.wait_dma2 semaphore(%run_scoped3A : memref<!tpu.dma_semaphore, #tpu.memory_space<semaphore_mem>>) src(%arg5 : memref<10240xf32, #tpu.memory_space<hbm>>) dst(%arg13 : memref<10240xf32, #tpu.memory_space<vmem>>)
      tpu.yield
    }) : () -> ()
    "tpu.region"() ({
      %run_scoped3A = tpu.sem_alloc : memref<!tpu.dma_semaphore, #tpu.memory_space<semaphore_mem>>
      tpu.enqueue_dma source(%arg5 : memref<10240xf32, #tpu.memory_space<hbm>>) target(%arg14 : memref<10240xf32, #tpu.memory_space<vmem>>) target_semaphore(%run_scoped3A : memref<!tpu.dma_semaphore, #tpu.memory_space<semaphore_mem>>)
      tpu.wait_dma2 semaphore(%run_scoped3A : memref<!tpu.dma_semaphore, #tpu.memory_space<semaphore_mem>>) src(%arg5 : memref<10240xf32, #tpu.memory_space<hbm>>) dst(%arg14 : memref<10240xf32, #tpu.memory_space<vmem>>)
      tpu.yield
    }) : () -> ()
    %mul3A_3 = arith.constant 640 : i32
    %mul3A_4 = arith.muli %arg1, %mul3A_3 : i32
    %mul3A_5 = arith.constant 640 : i32
    %mul3A_6 = arith.muli %arg1, %mul3A_5 : i32
    "tpu.region"() ({
      %run_scoped3A = tpu.sem_alloc : memref<!tpu.dma_semaphore, #tpu.memory_space<semaphore_mem>>
      %dma_start3A = arith.constant 0 : i32
      %dma_start3A_22 = tpu.memref_slice %arg15[%mul3A_6, %dma_start3A] : memref<10240x16xf32, #tpu.memory_space<vmem_shared>> -> memref<640x16xf32, #tpu.memory_space<vmem_shared>>
      %dma_start3A_23 = arith.constant 0 : i32
      %dma_start3A_24 = tpu.memref_slice %arg6[%mul3A_4, %dma_start3A_23] : memref<10240x16xf32, #tpu.memory_space<hbm>> -> memref<640x16xf32, #tpu.memory_space<hbm>>
      tpu.enqueue_dma source(%dma_start3A_24 : memref<640x16xf32, #tpu.memory_space<hbm>>) target(%dma_start3A_22 : memref<640x16xf32, #tpu.memory_space<vmem_shared>>) target_semaphore(%run_scoped3A : memref<!tpu.dma_semaphore, #tpu.memory_space<semaphore_mem>>)
      %dma_wait3A = arith.constant 0 : i32
      %dma_wait3A_25 = tpu.memref_slice %arg15[%mul3A_6, %dma_wait3A] : memref<10240x16xf32, #tpu.memory_space<vmem_shared>> -> memref<640x16xf32, #tpu.memory_space<vmem_shared>>
      %dma_wait3A_26 = arith.constant 0 : i32
      %dma_wait3A_27 = tpu.memref_slice %arg6[%mul3A_4, %dma_wait3A_26] : memref<10240x16xf32, #tpu.memory_space<hbm>> -> memref<640x16xf32, #tpu.memory_space<hbm>>
      tpu.wait_dma2 semaphore(%run_scoped3A : memref<!tpu.dma_semaphore, #tpu.memory_space<semaphore_mem>>) src(%dma_wait3A_27 : memref<640x16xf32, #tpu.memory_space<hbm>>) dst(%dma_wait3A_25 : memref<640x16xf32, #tpu.memory_space<vmem_shared>>)
      tpu.yield
    }) : () -> ()
    %barrier3A = arith.constant 0 : index
    tpu.barrier barrier_id(%barrier3A)
    %broadcast_in_dim3A = arith.constant 1.000000e+00 : f32
    %broadcast_in_dim3A_7 = vector.broadcast %broadcast_in_dim3A : f32 to vector<16xf32>
    %scan3A = arith.constant 0 : i32
    %scan3A_8 = arith.constant 0 : i32
    %scan3A_9 = arith.constant 80 : i32
    %scan3A_10 = arith.addi %scan3A_8, %scan3A_9 : i32
    %scan3A_11 = arith.constant 1 : i32
    scf.for %scan3A_22 = %scan3A_8 to %scan3A_10 step %scan3A_11  : i32 {
      %mul3A_23 = arith.constant 128 : i32
      %mul3A_24 = arith.muli %scan3A_22, %mul3A_23 : i32
      %add3A_25 = arith.addi %mul3A_2, %mul3A_24 : i32
      %dma_start3A = tpu.memref_slice %arg2[%add3A_25] : memref<327680xi32, #tpu.memory_space<hbm>> -> memref<128xi32, #tpu.memory_space<hbm>>
      %dma_start3A_26 = tpu.memref_slice %arg2[%add3A_25] : memref<327680xi32, #tpu.memory_space<hbm>> -> memref<128xi32, #tpu.memory_space<hbm>>
      tpu.enqueue_dma source(%dma_start3A_26 : memref<128xi32, #tpu.memory_space<hbm>>) target(%arg10 : memref<128xi32, #tpu.memory_space<vmem>>) target_semaphore(%arg16 : memref<!tpu.dma_semaphore, #tpu.memory_space<semaphore_mem>>)
      %dma_start3A_27 = tpu.memref_slice %arg3[%add3A_25] : memref<327680xi32, #tpu.memory_space<hbm>> -> memref<128xi32, #tpu.memory_space<hbm>>
      %dma_start3A_28 = tpu.memref_slice %arg3[%add3A_25] : memref<327680xi32, #tpu.memory_space<hbm>> -> memref<128xi32, #tpu.memory_space<hbm>>
      tpu.enqueue_dma source(%dma_start3A_28 : memref<128xi32, #tpu.memory_space<hbm>>) target(%arg11 : memref<128xi32, #tpu.memory_space<vmem>>) target_semaphore(%arg16 : memref<!tpu.dma_semaphore, #tpu.memory_space<semaphore_mem>>)
      %dma_start3A_29 = arith.constant 0 : i32
      %dma_start3A_30 = tpu.memref_slice %arg4[%add3A_25, %dma_start3A_29] : memref<327680x16xf32, #tpu.memory_space<hbm>> -> memref<128x16xf32, #tpu.memory_space<hbm>>
      %dma_start3A_31 = arith.constant 0 : i32
      %dma_start3A_32 = tpu.memref_slice %arg4[%add3A_25, %dma_start3A_31] : memref<327680x16xf32, #tpu.memory_space<hbm>> -> memref<128x16xf32, #tpu.memory_space<hbm>>
      tpu.enqueue_dma source(%dma_start3A_32 : memref<128x16xf32, #tpu.memory_space<hbm>>) target(%arg12 : memref<128x16xf32, #tpu.memory_space<vmem>>) target_semaphore(%arg16 : memref<!tpu.dma_semaphore, #tpu.memory_space<semaphore_mem>>)
      %dma_wait3A = tpu.memref_slice %arg2[%add3A_25] : memref<327680xi32, #tpu.memory_space<hbm>> -> memref<128xi32, #tpu.memory_space<hbm>>
      %dma_wait3A_33 = tpu.memref_slice %arg2[%add3A_25] : memref<327680xi32, #tpu.memory_space<hbm>> -> memref<128xi32, #tpu.memory_space<hbm>>
      tpu.wait_dma2 semaphore(%arg16 : memref<!tpu.dma_semaphore, #tpu.memory_space<semaphore_mem>>) src(%dma_wait3A_33 : memref<128xi32, #tpu.memory_space<hbm>>) dst(%arg10 : memref<128xi32, #tpu.memory_space<vmem>>)
      %dma_wait3A_34 = tpu.memref_slice %arg3[%add3A_25] : memref<327680xi32, #tpu.memory_space<hbm>> -> memref<128xi32, #tpu.memory_space<hbm>>
      %dma_wait3A_35 = tpu.memref_slice %arg3[%add3A_25] : memref<327680xi32, #tpu.memory_space<hbm>> -> memref<128xi32, #tpu.memory_space<hbm>>
      tpu.wait_dma2 semaphore(%arg16 : memref<!tpu.dma_semaphore, #tpu.memory_space<semaphore_mem>>) src(%dma_wait3A_35 : memref<128xi32, #tpu.memory_space<hbm>>) dst(%arg11 : memref<128xi32, #tpu.memory_space<vmem>>)
      %dma_wait3A_36 = arith.constant 0 : i32
      %dma_wait3A_37 = tpu.memref_slice %arg4[%add3A_25, %dma_wait3A_36] : memref<327680x16xf32, #tpu.memory_space<hbm>> -> memref<128x16xf32, #tpu.memory_space<hbm>>
      %dma_wait3A_38 = arith.constant 0 : i32
      %dma_wait3A_39 = tpu.memref_slice %arg4[%add3A_25, %dma_wait3A_38] : memref<327680x16xf32, #tpu.memory_space<hbm>> -> memref<128x16xf32, #tpu.memory_space<hbm>>
      tpu.wait_dma2 semaphore(%arg16 : memref<!tpu.dma_semaphore, #tpu.memory_space<semaphore_mem>>) src(%dma_wait3A_39 : memref<128x16xf32, #tpu.memory_space<hbm>>) dst(%arg12 : memref<128x16xf32, #tpu.memory_space<vmem>>)
      %get3A = arith.constant 0 : index
      %get3A_40 = tpu.vector_load %arg10[%get3A] {strides = array<i32>} : memref<128xi32, #tpu.memory_space<vmem>>, vector<16xi32>,
      tpu.vector_store_idx %arg13[%get3A_40], %broadcast_in_dim3A_7 {add = true} : memref<10240xf32, #tpu.memory_space<vmem>>[vector<16xi32>], vector<16xf32>,
      %get3A_41 = arith.constant 0 : index
      %get3A_42 = tpu.vector_load %arg11[%get3A_41] {strides = array<i32>} : memref<128xi32, #tpu.memory_space<vmem>>, vector<16xi32>,
      tpu.vector_store_idx %arg14[%get3A_42], %broadcast_in_dim3A_7 {add = true} : memref<10240xf32, #tpu.memory_space<vmem>>[vector<16xi32>], vector<16xf32>,
      %get3A_43 = arith.constant 16 : index
      %get3A_44 = tpu.vector_load %arg10[%get3A_43] {strides = array<i32>} : memref<128xi32, #tpu.memory_space<vmem>>, vector<16xi32>,
      tpu.vector_store_idx %arg13[%get3A_44], %broadcast_in_dim3A_7 {add = true} : memref<10240xf32, #tpu.memory_space<vmem>>[vector<16xi32>], vector<16xf32>,
      %get3A_45 = arith.constant 16 : index
      %get3A_46 = tpu.vector_load %arg11[%get3A_45] {strides = array<i32>} : memref<128xi32, #tpu.memory_space<vmem>>, vector<16xi32>,
      tpu.vector_store_idx %arg14[%get3A_46], %broadcast_in_dim3A_7 {add = true} : memref<10240xf32, #tpu.memory_space<vmem>>[vector<16xi32>], vector<16xf32>,
      %get3A_47 = arith.constant 32 : index
      %get3A_48 = tpu.vector_load %arg10[%get3A_47] {strides = array<i32>} : memref<128xi32, #tpu.memory_space<vmem>>, vector<16xi32>,
      tpu.vector_store_idx %arg13[%get3A_48], %broadcast_in_dim3A_7 {add = true} : memref<10240xf32, #tpu.memory_space<vmem>>[vector<16xi32>], vector<16xf32>,
      %get3A_49 = arith.constant 32 : index
      %get3A_50 = tpu.vector_load %arg11[%get3A_49] {strides = array<i32>} : memref<128xi32, #tpu.memory_space<vmem>>, vector<16xi32>,
      tpu.vector_store_idx %arg14[%get3A_50], %broadcast_in_dim3A_7 {add = true} : memref<10240xf32, #tpu.memory_space<vmem>>[vector<16xi32>], vector<16xf32>,
      %get3A_51 = arith.constant 48 : index
      %get3A_52 = tpu.vector_load %arg10[%get3A_51] {strides = array<i32>} : memref<128xi32, #tpu.memory_space<vmem>>, vector<16xi32>,
      tpu.vector_store_idx %arg13[%get3A_52], %broadcast_in_dim3A_7 {add = true} : memref<10240xf32, #tpu.memory_space<vmem>>[vector<16xi32>], vector<16xf32>,
      %get3A_53 = arith.constant 48 : index
      %get3A_54 = tpu.vector_load %arg11[%get3A_53] {strides = array<i32>} : memref<128xi32, #tpu.memory_space<vmem>>, vector<16xi32>,
      tpu.vector_store_idx %arg14[%get3A_54], %broadcast_in_dim3A_7 {add = true} : memref<10240xf32, #tpu.memory_space<vmem>>[vector<16xi32>], vector<16xf32>,
      %get3A_55 = arith.constant 64 : index
      %get3A_56 = tpu.vector_load %arg10[%get3A_55] {strides = array<i32>} : memref<128xi32, #tpu.memory_space<vmem>>, vector<16xi32>,
      tpu.vector_store_idx %arg13[%get3A_56], %broadcast_in_dim3A_7 {add = true} : memref<10240xf32, #tpu.memory_space<vmem>>[vector<16xi32>], vector<16xf32>,
      %get3A_57 = arith.constant 64 : index
      %get3A_58 = tpu.vector_load %arg11[%get3A_57] {strides = array<i32>} : memref<128xi32, #tpu.memory_space<vmem>>, vector<16xi32>,
      tpu.vector_store_idx %arg14[%get3A_58], %broadcast_in_dim3A_7 {add = true} : memref<10240xf32, #tpu.memory_space<vmem>>[vector<16xi32>], vector<16xf32>,
      %get3A_59 = arith.constant 80 : index
      %get3A_60 = tpu.vector_load %arg10[%get3A_59] {strides = array<i32>} : memref<128xi32, #tpu.memory_space<vmem>>, vector<16xi32>,
      tpu.vector_store_idx %arg13[%get3A_60], %broadcast_in_dim3A_7 {add = true} : memref<10240xf32, #tpu.memory_space<vmem>>[vector<16xi32>], vector<16xf32>,
      %get3A_61 = arith.constant 80 : index
      %get3A_62 = tpu.vector_load %arg11[%get3A_61] {strides = array<i32>} : memref<128xi32, #tpu.memory_space<vmem>>, vector<16xi32>,
      tpu.vector_store_idx %arg14[%get3A_62], %broadcast_in_dim3A_7 {add = true} : memref<10240xf32, #tpu.memory_space<vmem>>[vector<16xi32>], vector<16xf32>,
      %get3A_63 = arith.constant 96 : index
      %get3A_64 = tpu.vector_load %arg10[%get3A_63] {strides = array<i32>} : memref<128xi32, #tpu.memory_space<vmem>>, vector<16xi32>,
      tpu.vector_store_idx %arg13[%get3A_64], %broadcast_in_dim3A_7 {add = true} : memref<10240xf32, #tpu.memory_space<vmem>>[vector<16xi32>], vector<16xf32>,
      %get3A_65 = arith.constant 96 : index
      %get3A_66 = tpu.vector_load %arg11[%get3A_65] {strides = array<i32>} : memref<128xi32, #tpu.memory_space<vmem>>, vector<16xi32>,
      tpu.vector_store_idx %arg14[%get3A_66], %broadcast_in_dim3A_7 {add = true} : memref<10240xf32, #tpu.memory_space<vmem>>[vector<16xi32>], vector<16xf32>,
      %get3A_67 = arith.constant 112 : index
      %get3A_68 = tpu.vector_load %arg10[%get3A_67] {strides = array<i32>} : memref<128xi32, #tpu.memory_space<vmem>>, vector<16xi32>,
      tpu.vector_store_idx %arg13[%get3A_68], %broadcast_in_dim3A_7 {add = true} : memref<10240xf32, #tpu.memory_space<vmem>>[vector<16xi32>], vector<16xf32>,
      %get3A_69 = arith.constant 112 : index
      %get3A_70 = tpu.vector_load %arg11[%get3A_69] {strides = array<i32>} : memref<128xi32, #tpu.memory_space<vmem>>, vector<16xi32>,
      tpu.vector_store_idx %arg14[%get3A_70], %broadcast_in_dim3A_7 {add = true} : memref<10240xf32, #tpu.memory_space<vmem>>[vector<16xi32>], vector<16xf32>,
      "tpu.region"() ({
        %run_scoped3A = tpu.sem_alloc : memref<!tpu.dma_semaphore, #tpu.memory_space<semaphore_mem>>
        %dma_start3A_71 = arith.constant 0 : i32
        %dma_start3A_72 = arith.constant 0 : i32
        %dma_start3A_73 = tpu.memref_slice %arg15[%dma_start3A_71, %dma_start3A_72] : memref<10240x16xf32, #tpu.memory_space<vmem_shared>> -> memref<10240x16xf32, #tpu.memory_space<vmem_shared>>
        tpu.enqueue_indirect_dma source(%arg12 : memref<128x16xf32, #tpu.memory_space<vmem>>) target(%dma_start3A_73 : memref<10240x16xf32, #tpu.memory_space<vmem_shared>>) offsets(%arg10 : memref<128xi32, #tpu.memory_space<vmem>>) semaphore(%run_scoped3A : memref<!tpu.dma_semaphore, #tpu.memory_space<semaphore_mem>>) {add = true}
        %dma_wait3A_74 = arith.constant 0 : i32
        %dma_wait3A_75 = arith.constant 0 : i32
        %dma_wait3A_76 = tpu.memref_slice %arg15[%dma_wait3A_74, %dma_wait3A_75] : memref<10240x16xf32, #tpu.memory_space<vmem_shared>> -> memref<10240x16xf32, #tpu.memory_space<vmem_shared>>
        tpu.wait_indirect_dma semaphore(%run_scoped3A : memref<!tpu.dma_semaphore, #tpu.memory_space<semaphore_mem>>) src(%arg12 : memref<128x16xf32, #tpu.memory_space<vmem>>) dst(%dma_wait3A_76 : memref<10240x16xf32, #tpu.memory_space<vmem_shared>>)
        tpu.yield
      }) : () -> ()
    }
    %scan3A_12 = arith.constant 80 : i32
    %barrier3A_13 = arith.constant 0 : index
    tpu.barrier barrier_id(%barrier3A_13)
    %mul3A_14 = arith.constant 10240 : i32
    %mul3A_15 = arith.muli %add3A, %mul3A_14 : i32
    "tpu.region"() ({
      %run_scoped3A = tpu.sem_alloc : memref<!tpu.dma_semaphore, #tpu.memory_space<semaphore_mem>>
      %dma_start3A = tpu.memref_slice %arg7[%mul3A_15] : memref<327680xf32, #tpu.memory_space<hbm>> -> memref<10240xf32, #tpu.memory_space<hbm>>
      %dma_start3A_22 = tpu.memref_slice %arg7[%mul3A_15] : memref<327680xf32, #tpu.memory_space<hbm>> -> memref<10240xf32, #tpu.memory_space<hbm>>
      tpu.enqueue_dma source(%arg13 : memref<10240xf32, #tpu.memory_space<vmem>>) target(%dma_start3A_22 : memref<10240xf32, #tpu.memory_space<hbm>>) target_semaphore(%run_scoped3A : memref<!tpu.dma_semaphore, #tpu.memory_space<semaphore_mem>>)
      %dma_wait3A = tpu.memref_slice %arg7[%mul3A_15] : memref<327680xf32, #tpu.memory_space<hbm>> -> memref<10240xf32, #tpu.memory_space<hbm>>
      %dma_wait3A_23 = tpu.memref_slice %arg7[%mul3A_15] : memref<327680xf32, #tpu.memory_space<hbm>> -> memref<10240xf32, #tpu.memory_space<hbm>>
      tpu.wait_dma2 semaphore(%run_scoped3A : memref<!tpu.dma_semaphore, #tpu.memory_space<semaphore_mem>>) src(%arg13 : memref<10240xf32, #tpu.memory_space<vmem>>) dst(%dma_wait3A_23 : memref<10240xf32, #tpu.memory_space<hbm>>)
      tpu.yield
    }) : () -> ()
    %mul3A_16 = arith.constant 10240 : i32
    %mul3A_17 = arith.muli %add3A, %mul3A_16 : i32
    "tpu.region"() ({
      %run_scoped3A = tpu.sem_alloc : memref<!tpu.dma_semaphore, #tpu.memory_space<semaphore_mem>>
      %dma_start3A = tpu.memref_slice %arg8[%mul3A_17] : memref<327680xf32, #tpu.memory_space<hbm>> -> memref<10240xf32, #tpu.memory_space<hbm>>
      %dma_start3A_22 = tpu.memref_slice %arg8[%mul3A_17] : memref<327680xf32, #tpu.memory_space<hbm>> -> memref<10240xf32, #tpu.memory_space<hbm>>
      tpu.enqueue_dma source(%arg14 : memref<10240xf32, #tpu.memory_space<vmem>>) target(%dma_start3A_22 : memref<10240xf32, #tpu.memory_space<hbm>>) target_semaphore(%run_scoped3A : memref<!tpu.dma_semaphore, #tpu.memory_space<semaphore_mem>>)
      %dma_wait3A = tpu.memref_slice %arg8[%mul3A_17] : memref<327680xf32, #tpu.memory_space<hbm>> -> memref<10240xf32, #tpu.memory_space<hbm>>
      %dma_wait3A_23 = tpu.memref_slice %arg8[%mul3A_17] : memref<327680xf32, #tpu.memory_space<hbm>> -> memref<10240xf32, #tpu.memory_space<hbm>>
      tpu.wait_dma2 semaphore(%run_scoped3A : memref<!tpu.dma_semaphore, #tpu.memory_space<semaphore_mem>>) src(%arg14 : memref<10240xf32, #tpu.memory_space<vmem>>) dst(%dma_wait3A_23 : memref<10240xf32, #tpu.memory_space<hbm>>)
      tpu.yield
    }) : () -> ()
    %mul3A_18 = arith.constant 640 : i32
    %mul3A_19 = arith.muli %arg1, %mul3A_18 : i32
    %mul3A_20 = arith.constant 640 : i32
    %mul3A_21 = arith.muli %arg1, %mul3A_20 : i32
    "tpu.region"() ({
      %run_scoped3A = tpu.sem_alloc : memref<!tpu.dma_semaphore, #tpu.memory_space<semaphore_mem>>
      %dma_start3A = arith.constant 0 : i32
      %dma_start3A_22 = tpu.memref_slice %arg9[%arg0, %mul3A_21, %dma_start3A] : memref<2x10240x16xf32, #tpu.memory_space<hbm>> -> memref<1x640x16xf32, #tpu.memory_space<hbm>>
      %dma_start3A_23 = tpu.memref_squeeze %dma_start3A_22 : memref<1x640x16xf32, #tpu.memory_space<hbm>> -> memref<640x16xf32, #tpu.memory_space<hbm>>
      %dma_start3A_24 = arith.constant 0 : i32
      %dma_start3A_25 = tpu.memref_slice %arg15[%mul3A_19, %dma_start3A_24] : memref<10240x16xf32, #tpu.memory_space<vmem_shared>> -> memref<640x16xf32, #tpu.memory_space<vmem_shared>>
      tpu.enqueue_dma source(%dma_start3A_25 : memref<640x16xf32, #tpu.memory_space<vmem_shared>>) target(%dma_start3A_23 : memref<640x16xf32, #tpu.memory_space<hbm>>) target_semaphore(%run_scoped3A : memref<!tpu.dma_semaphore, #tpu.memory_space<semaphore_mem>>)
      %dma_wait3A = arith.constant 0 : i32
      %dma_wait3A_26 = tpu.memref_slice %arg9[%arg0, %mul3A_21, %dma_wait3A] : memref<2x10240x16xf32, #tpu.memory_space<hbm>> -> memref<1x640x16xf32, #tpu.memory_space<hbm>>
      %dma_wait3A_27 = tpu.memref_squeeze %dma_wait3A_26 : memref<1x640x16xf32, #tpu.memory_space<hbm>> -> memref<640x16xf32, #tpu.memory_space<hbm>>
      %dma_wait3A_28 = arith.constant 0 : i32
      %dma_wait3A_29 = tpu.memref_slice %arg15[%mul3A_19, %dma_wait3A_28] : memref<10240x16xf32, #tpu.memory_space<vmem_shared>> -> memref<640x16xf32, #tpu.memory_space<vmem_shared>>
      tpu.wait_dma2 semaphore(%run_scoped3A : memref<!tpu.dma_semaphore, #tpu.memory_space<semaphore_mem>>) src(%dma_wait3A_29 : memref<640x16xf32, #tpu.memory_space<vmem_shared>>) dst(%dma_wait3A_27 : memref<640x16xf32, #tpu.memory_space<hbm>>)
      tpu.yield
    }) : () -> ()
    return
  }
}

module attributes {stable_mosaic.version = 14 : i64} {
  func.func @_tc_ea_body(%arg0: i32, %arg1: memref<8192x128xf32, #tpu.memory_space<vmem>>, %arg2: memref<1x16xf32, #tpu.memory_space<vmem>>, %arg3: memref<16x16xf32, #tpu.memory_space<vmem>>, %arg4: memref<1x128xf32, #tpu.memory_space<vmem>>, %arg5: memref<128x128xf32, #tpu.memory_space<vmem>>) attributes {dimension_semantics = [#tpu.dimension_semantics<arbitrary>], iteration_bounds = array<i64: 5>, scalar_prefetch = 0 : i64, scratch_operands = 2 : i64, tpu.core_type = #tpu.core_type<tc>, window_params = [{transform_indices = @transform_0, window_bounds = array<i64: 8192, 128>}, {pipeline_mode = #tpu.pipeline_mode<synchronous>, transform_indices = @transform_1, window_bounds = array<i64: 1, 16>}, {pipeline_mode = #tpu.pipeline_mode<synchronous>, transform_indices = @transform_2, window_bounds = array<i64: 16, 16>}]} {
    %eq3A = arith.constant 0 : i32
    %eq3A_0 = arith.cmpi eq, %arg0, %eq3A : i32
    %convert_element_type3A = arith.extui %eq3A_0 : i1 to i32
    %cond3A = arith.constant 0 : i32
    %cond3A_1 = arith.cmpi ne, %convert_element_type3A, %cond3A : i32
    scf.if %cond3A_1 {
      %broadcast_in_dim3A_23 = arith.constant 0.000000e+00 : f32
      %broadcast_in_dim3A_24 = vector.broadcast %broadcast_in_dim3A_23 : f32 to vector<1x128xf32>
      %swap3A_25 = arith.constant 0 : index
      %swap3A_26 = arith.constant 0 : index
      %swap3A_27 = vector.load %arg4[%swap3A_25, %swap3A_26] : memref<1x128xf32, #tpu.memory_space<vmem>>, vector<1x128xf32>
      tpu.vector_store %arg4[%swap3A_25, %swap3A_26], %broadcast_in_dim3A_24 {strides = array<i32>} : memref<1x128xf32, #tpu.memory_space<vmem>>, vector<1x128xf32>,
      %broadcast_in_dim3A_28 = arith.constant 0.000000e+00 : f32
      %broadcast_in_dim3A_29 = vector.broadcast %broadcast_in_dim3A_28 : f32 to vector<128x128xf32>
      %swap3A_30 = arith.constant 0 : index
      %swap3A_31 = arith.constant 0 : index
      %swap3A_32 = vector.load %arg5[%swap3A_30, %swap3A_31] : memref<128x128xf32, #tpu.memory_space<vmem>>, vector<128x128xf32>
      tpu.vector_store %arg5[%swap3A_30, %swap3A_31], %broadcast_in_dim3A_29 {strides = array<i32>} : memref<128x128xf32, #tpu.memory_space<vmem>>, vector<128x128xf32>,
    } else {
    }
    %get3A = arith.constant 0 : index
    %get3A_2 = arith.constant 0 : index
    %get3A_3 = vector.load %arg1[%get3A, %get3A_2] : memref<8192x128xf32, #tpu.memory_space<vmem>>, vector<8192x128xf32>
    %get3A_4 = arith.constant 0 : index
    %get3A_5 = arith.constant 0 : index
    %get3A_6 = vector.load %arg4[%get3A_4, %get3A_5] : memref<1x128xf32, #tpu.memory_space<vmem>>, vector<1x128xf32>
    %reduce_sum3A = arith.constant dense<0.000000e+00> : vector<128xf32>
    %reduce_sum3A_7 = vector.multi_reduction <add>, %get3A_3, %reduce_sum3A [0] : vector<8192x128xf32> to vector<128xf32>
    %broadcast_in_dim3A = vector.shape_cast %reduce_sum3A_7 : vector<128xf32> to vector<1x128xf32>
    %add3A = arith.addf %get3A_6, %broadcast_in_dim3A : vector<1x128xf32>
    %swap3A = arith.constant 0 : index
    %swap3A_8 = arith.constant 0 : index
    %swap3A_9 = vector.load %arg4[%swap3A, %swap3A_8] : memref<1x128xf32, #tpu.memory_space<vmem>>, vector<1x128xf32>
    tpu.vector_store %arg4[%swap3A, %swap3A_8], %add3A {strides = array<i32>} : memref<1x128xf32, #tpu.memory_space<vmem>>, vector<1x128xf32>,
    %get3A_10 = arith.constant 0 : index
    %get3A_11 = arith.constant 0 : index
    %get3A_12 = vector.load %arg5[%get3A_10, %get3A_11] : memref<128x128xf32, #tpu.memory_space<vmem>>, vector<128x128xf32>
    %dot_general3A = arith.constant dense<0.000000e+00> : vector<128x128xf32>
    %dot_general3A_13 = tpu.matmul %get3A_3, %get3A_3, %dot_general3A {dimension_numbers = #tpu.dot_dimension_numbers<[0], [0], [1], [1], [0, 1, 1, 1], [], []>, precision = #tpu.contract_precision<fp32>, transpose_lhs_hint = false} : vector<8192x128xf32>, vector<8192x128xf32>, vector<128x128xf32> -> vector<128x128xf32>
    %add3A_14 = arith.addf %get3A_12, %dot_general3A_13 : vector<128x128xf32>
    %swap3A_15 = arith.constant 0 : index
    %swap3A_16 = arith.constant 0 : index
    %swap3A_17 = vector.load %arg5[%swap3A_15, %swap3A_16] : memref<128x128xf32, #tpu.memory_space<vmem>>, vector<128x128xf32>
    tpu.vector_store %arg5[%swap3A_15, %swap3A_16], %add3A_14 {strides = array<i32>} : memref<128x128xf32, #tpu.memory_space<vmem>>, vector<128x128xf32>,
    %eq3A_18 = arith.constant 4 : i32
    %eq3A_19 = arith.cmpi eq, %arg0, %eq3A_18 : i32
    %convert_element_type3A_20 = arith.extui %eq3A_19 : i1 to i32
    %cond3A_21 = arith.constant 0 : i32
    %cond3A_22 = arith.cmpi ne, %convert_element_type3A_20, %cond3A_21 : i32
    scf.if %cond3A_22 {
      %broadcast_in_dim3A_23 = arith.constant 0.000000e+00 : f32
      %broadcast_in_dim3A_24 = vector.broadcast %broadcast_in_dim3A_23 : f32 to vector<1x16xf32>
      %broadcast_in_dim3A_25 = arith.constant 0.000000e+00 : f32
      %broadcast_in_dim3A_26 = vector.broadcast %broadcast_in_dim3A_25 : f32 to vector<16x16xf32>
      %get3A_27 = arith.constant 0 : index
      %get3A_28 = arith.constant 0 : index
      %get3A_29 = vector.load %arg4[%get3A_27, %get3A_28] : memref<1x128xf32, #tpu.memory_space<vmem>>, vector<1x16xf32>
      %add3A_30 = arith.addf %broadcast_in_dim3A_24, %get3A_29 : vector<1x16xf32>
      %get3A_31 = arith.constant 0 : index
      %get3A_32 = arith.constant 0 : index
      %get3A_33 = vector.load %arg5[%get3A_31, %get3A_32] : memref<128x128xf32, #tpu.memory_space<vmem>>, vector<16x16xf32>
      %add3A_34 = arith.addf %broadcast_in_dim3A_26, %get3A_33 : vector<16x16xf32>
      %get3A_35 = arith.constant 0 : index
      %get3A_36 = arith.constant 16 : index
      %get3A_37 = vector.load %arg4[%get3A_35, %get3A_36] : memref<1x128xf32, #tpu.memory_space<vmem>>, vector<1x16xf32>
      %add3A_38 = arith.addf %add3A_30, %get3A_37 : vector<1x16xf32>
      %get3A_39 = arith.constant 16 : index
      %get3A_40 = arith.constant 16 : index
      %get3A_41 = vector.load %arg5[%get3A_39, %get3A_40] : memref<128x128xf32, #tpu.memory_space<vmem>>, vector<16x16xf32>
      %add3A_42 = arith.addf %add3A_34, %get3A_41 : vector<16x16xf32>
      %get3A_43 = arith.constant 0 : index
      %get3A_44 = arith.constant 32 : index
      %get3A_45 = vector.load %arg4[%get3A_43, %get3A_44] : memref<1x128xf32, #tpu.memory_space<vmem>>, vector<1x16xf32>
      %add3A_46 = arith.addf %add3A_38, %get3A_45 : vector<1x16xf32>
      %get3A_47 = arith.constant 32 : index
      %get3A_48 = arith.constant 32 : index
      %get3A_49 = vector.load %arg5[%get3A_47, %get3A_48] : memref<128x128xf32, #tpu.memory_space<vmem>>, vector<16x16xf32>
      %add3A_50 = arith.addf %add3A_42, %get3A_49 : vector<16x16xf32>
      %get3A_51 = arith.constant 0 : index
      %get3A_52 = arith.constant 48 : index
      %get3A_53 = vector.load %arg4[%get3A_51, %get3A_52] : memref<1x128xf32, #tpu.memory_space<vmem>>, vector<1x16xf32>
      %add3A_54 = arith.addf %add3A_46, %get3A_53 : vector<1x16xf32>
      %get3A_55 = arith.constant 48 : index
      %get3A_56 = arith.constant 48 : index
      %get3A_57 = vector.load %arg5[%get3A_55, %get3A_56] : memref<128x128xf32, #tpu.memory_space<vmem>>, vector<16x16xf32>
      %add3A_58 = arith.addf %add3A_50, %get3A_57 : vector<16x16xf32>
      %get3A_59 = arith.constant 0 : index
      %get3A_60 = arith.constant 64 : index
      %get3A_61 = vector.load %arg4[%get3A_59, %get3A_60] : memref<1x128xf32, #tpu.memory_space<vmem>>, vector<1x16xf32>
      %add3A_62 = arith.addf %add3A_54, %get3A_61 : vector<1x16xf32>
      %get3A_63 = arith.constant 64 : index
      %get3A_64 = arith.constant 64 : index
      %get3A_65 = vector.load %arg5[%get3A_63, %get3A_64] : memref<128x128xf32, #tpu.memory_space<vmem>>, vector<16x16xf32>
      %add3A_66 = arith.addf %add3A_58, %get3A_65 : vector<16x16xf32>
      %get3A_67 = arith.constant 0 : index
      %get3A_68 = arith.constant 80 : index
      %get3A_69 = vector.load %arg4[%get3A_67, %get3A_68] : memref<1x128xf32, #tpu.memory_space<vmem>>, vector<1x16xf32>
      %add3A_70 = arith.addf %add3A_62, %get3A_69 : vector<1x16xf32>
      %get3A_71 = arith.constant 80 : index
      %get3A_72 = arith.constant 80 : index
      %get3A_73 = vector.load %arg5[%get3A_71, %get3A_72] : memref<128x128xf32, #tpu.memory_space<vmem>>, vector<16x16xf32>
      %add3A_74 = arith.addf %add3A_66, %get3A_73 : vector<16x16xf32>
      %get3A_75 = arith.constant 0 : index
      %get3A_76 = arith.constant 96 : index
      %get3A_77 = vector.load %arg4[%get3A_75, %get3A_76] : memref<1x128xf32, #tpu.memory_space<vmem>>, vector<1x16xf32>
      %add3A_78 = arith.addf %add3A_70, %get3A_77 : vector<1x16xf32>
      %get3A_79 = arith.constant 96 : index
      %get3A_80 = arith.constant 96 : index
      %get3A_81 = vector.load %arg5[%get3A_79, %get3A_80] : memref<128x128xf32, #tpu.memory_space<vmem>>, vector<16x16xf32>
      %add3A_82 = arith.addf %add3A_74, %get3A_81 : vector<16x16xf32>
      %get3A_83 = arith.constant 0 : index
      %get3A_84 = arith.constant 112 : index
      %get3A_85 = vector.load %arg4[%get3A_83, %get3A_84] : memref<1x128xf32, #tpu.memory_space<vmem>>, vector<1x16xf32>
      %add3A_86 = arith.addf %add3A_78, %get3A_85 : vector<1x16xf32>
      %get3A_87 = arith.constant 112 : index
      %get3A_88 = arith.constant 112 : index
      %get3A_89 = vector.load %arg5[%get3A_87, %get3A_88] : memref<128x128xf32, #tpu.memory_space<vmem>>, vector<16x16xf32>
      %add3A_90 = arith.addf %add3A_82, %get3A_89 : vector<16x16xf32>
      %swap3A_91 = arith.constant 0 : index
      %swap3A_92 = arith.constant 0 : index
      %swap3A_93 = vector.load %arg2[%swap3A_91, %swap3A_92] : memref<1x16xf32, #tpu.memory_space<vmem>>, vector<1x16xf32>
      tpu.vector_store %arg2[%swap3A_91, %swap3A_92], %add3A_86 {strides = array<i32>} : memref<1x16xf32, #tpu.memory_space<vmem>>, vector<1x16xf32>,
      %swap3A_94 = arith.constant 0 : index
      %swap3A_95 = arith.constant 0 : index
      %swap3A_96 = vector.load %arg3[%swap3A_94, %swap3A_95] : memref<16x16xf32, #tpu.memory_space<vmem>>, vector<16x16xf32>
      tpu.vector_store %arg3[%swap3A_94, %swap3A_95], %add3A_90 {strides = array<i32>} : memref<16x16xf32, #tpu.memory_space<vmem>>, vector<16x16xf32>,
    } else {
    }
    return
  }
  func.func @transform_0(%arg0: i32) -> (i32, i32) {
    %c0_i32 = arith.constant 0 : i32
    %c0_i32_0 = arith.constant 0 : i32
    return %arg0, %c0_i32 : i32, i32
  }
  func.func @transform_1(%arg0: i32) -> (i32, i32) {
    %c0_i32 = arith.constant 0 : i32
    %c0_i32_0 = arith.constant 0 : i32
    %c0_i32_1 = arith.constant 0 : i32
    return %c0_i32, %c0_i32_0 : i32, i32
  }
  func.func @transform_2(%arg0: i32) -> (i32, i32) {
    %c0_i32 = arith.constant 0 : i32
    %c0_i32_0 = arith.constant 0 : i32
    %c0_i32_1 = arith.constant 0 : i32
    return %c0_i32, %c0_i32_0 : i32, i32
  }
}

module attributes {stable_mosaic.version = 14 : i64} {
  func.func @_tc_prep_body(%arg0: i32, %arg1: memref<10240x128xf32, #tpu.memory_space<vmem>>, %arg2: memref<32x10240xf32, #tpu.memory_space<vmem>>, %arg3: memref<2x10240x16xf32, #tpu.memory_space<vmem>>, %arg4: memref<1x16xf32, #tpu.memory_space<vmem>>, %arg5: memref<16x16xf32, #tpu.memory_space<vmem>>, %arg6: memref<144x128xf32, #tpu.memory_space<vmem>>, %arg7: memref<1x128xf32, #tpu.memory_space<vmem>>, %arg8: memref<1x128xf32, #tpu.memory_space<vmem>>, %arg9: memref<1x128xf32, #tpu.memory_space<vmem>>, %arg10: memref<10240x128xf32, #tpu.memory_space<vmem>>, %arg11: memref<16x128xf32, #tpu.memory_space<vmem>>, %arg12: memref<1x128xf32, #tpu.memory_space<vmem>>, %arg13: memref<1x10240xf32, #tpu.memory_space<vmem>>) attributes {dimension_semantics = [#tpu.dimension_semantics<arbitrary>], iteration_bounds = array<i64: 1>, scalar_prefetch = 0 : i64, scratch_operands = 1 : i64, tpu.core_type = #tpu.core_type<tc>, window_params = [{pipeline_mode = #tpu.pipeline_mode<synchronous>, transform_indices = @transform_0, window_bounds = array<i64: 10240, 128>}, {pipeline_mode = #tpu.pipeline_mode<synchronous>, transform_indices = @transform_1, window_bounds = array<i64: 32, 10240>}, {pipeline_mode = #tpu.pipeline_mode<synchronous>, transform_indices = @transform_2, window_bounds = array<i64: 2, 10240, 16>}, {pipeline_mode = #tpu.pipeline_mode<synchronous>, transform_indices = @transform_3, window_bounds = array<i64: 1, 16>}, {pipeline_mode = #tpu.pipeline_mode<synchronous>, transform_indices = @transform_4, window_bounds = array<i64: 16, 16>}, {pipeline_mode = #tpu.pipeline_mode<synchronous>, transform_indices = @transform_5, window_bounds = array<i64: 144, 128>}, {pipeline_mode = #tpu.pipeline_mode<synchronous>, transform_indices = @transform_6, window_bounds = array<i64: 1, 128>}, {pipeline_mode = #tpu.pipeline_mode<synchronous>, transform_indices = @transform_7, window_bounds = array<i64: 1, 128>}, {pipeline_mode = #tpu.pipeline_mode<synchronous>, transform_indices = @transform_8, window_bounds = array<i64: 1, 128>}, {pipeline_mode = #tpu.pipeline_mode<synchronous>, transform_indices = @transform_9, window_bounds = array<i64: 10240, 128>}, {pipeline_mode = #tpu.pipeline_mode<synchronous>, transform_indices = @transform_10, window_bounds = array<i64: 16, 128>}, {pipeline_mode = #tpu.pipeline_mode<synchronous>, transform_indices = @transform_11, window_bounds = array<i64: 1, 128>}]} {
    %get3A = arith.constant 0 : index
    %get3A_0 = arith.constant 0 : index
    %get3A_1 = vector.load %arg6[%get3A, %get3A_0] : memref<144x128xf32, #tpu.memory_space<vmem>>, vector<128x128xf32>
    %get3A_2 = arith.constant 128 : index
    %get3A_3 = arith.constant 0 : index
    %get3A_4 = vector.load %arg6[%get3A_2, %get3A_3] : memref<144x128xf32, #tpu.memory_space<vmem>>, vector<16x128xf32>
    %get3A_5 = arith.constant 0 : index
    %get3A_6 = arith.constant 0 : index
    %get3A_7 = vector.load %arg7[%get3A_5, %get3A_6] : memref<1x128xf32, #tpu.memory_space<vmem>>, vector<1x128xf32>
    %get3A_8 = arith.constant 0 : index
    %get3A_9 = arith.constant 0 : index
    %get3A_10 = vector.load %arg2[%get3A_8, %get3A_9] : memref<32x10240xf32, #tpu.memory_space<vmem>>, vector<32x10240xf32>
    %reduce_sum3A = arith.constant dense<0.000000e+00> : vector<10240xf32>
    %reduce_sum3A_11 = vector.multi_reduction <add>, %get3A_10, %reduce_sum3A [0] : vector<32x10240xf32> to vector<10240xf32>
    %broadcast_in_dim3A = vector.shape_cast %reduce_sum3A_11 : vector<10240xf32> to vector<1x10240xf32>
    %swap3A = arith.constant 0 : index
    %swap3A_12 = arith.constant 0 : index
    %swap3A_13 = vector.load %arg13[%swap3A, %swap3A_12] : memref<1x10240xf32, #tpu.memory_space<vmem>>, vector<1x10240xf32>
    tpu.vector_store %arg13[%swap3A, %swap3A_12], %broadcast_in_dim3A {strides = array<i32>} : memref<1x10240xf32, #tpu.memory_space<vmem>>, vector<1x10240xf32>,
    %get3A_14 = arith.constant 0 : index
    %get3A_15 = arith.constant 0 : index
    %get3A_16 = vector.load %arg4[%get3A_14, %get3A_15] : memref<1x16xf32, #tpu.memory_space<vmem>>, vector<1x16xf32>
    %get3A_17 = arith.constant 0 : index
    %get3A_18 = arith.constant 0 : index
    %get3A_19 = vector.load %arg5[%get3A_17, %get3A_18] : memref<16x16xf32, #tpu.memory_space<vmem>>, vector<16x16xf32>
    %broadcast_in_dim3A_20 = arith.constant 0.000000e+00 : f32
    %broadcast_in_dim3A_21 = vector.broadcast %broadcast_in_dim3A_20 : f32 to vector<1x128xf32>
    %scan3A = arith.constant 0 : i32
    %scan3A_22 = arith.constant 5 : i32
    %scan3A_23 = arith.addi %scan3A, %scan3A_22 : i32
    %scan3A_24 = arith.constant 1 : i32
    %scan3A_25:3 = scf.for %scan3A_89 = %scan3A to %scan3A_23 step %scan3A_24 iter_args(%scan3A_90 = %broadcast_in_dim3A_21, %scan3A_91 = %broadcast_in_dim3A_21, %scan3A_92 = %broadcast_in_dim3A_21) -> (vector<1x128xf32>, vector<1x128xf32>, vector<1x128xf32>)  : i32 {
      %mul3A_93 = arith.constant 2048 : i32
      %mul3A_94 = arith.muli %scan3A_89, %mul3A_93 : i32
      %multiple_of3A = tpu.assume_multiple %mul3A_94, 2048 : i32
      %get3A_95 = arith.index_cast %multiple_of3A : i32 to index
      %get3A_96 = arith.constant 0 : index
      %get3A_97 = vector.load %arg1[%get3A_95, %get3A_96] : memref<10240x128xf32, #tpu.memory_space<vmem>>, vector<2048x128xf32>
      %dot_general3A_98 = arith.constant dense<0.000000e+00> : vector<2048x128xf32>
      %dot_general3A_99 = tpu.matmul %get3A_97, %get3A_1, %dot_general3A_98 {dimension_numbers = #tpu.dot_dimension_numbers<[1], [0], [0], [1], [0, 0, 1, 1], [], []>, precision = #tpu.contract_precision<fp32>, transpose_lhs_hint = false} : vector<2048x128xf32>, vector<128x128xf32>, vector<2048x128xf32> -> vector<2048x128xf32>
      %get3A_100 = arith.constant 0 : index
      %get3A_101 = arith.index_cast %multiple_of3A : i32 to index
      %get3A_102 = vector.load %arg13[%get3A_100, %get3A_101] : memref<1x10240xf32, #tpu.memory_space<vmem>>, vector<1x2048xf32>
      %get3A_103 = arith.constant 0 : index
      %get3A_104 = arith.index_cast %multiple_of3A : i32 to index
      %get3A_105 = arith.constant 0 : index
      %get3A_106 = vector.load %arg3[%get3A_103, %get3A_104, %get3A_105] : memref<2x10240x16xf32, #tpu.memory_space<vmem>>, vector<1x2048x16xf32>
      %get3A_107 = vector.shape_cast %get3A_106 : vector<1x2048x16xf32> to vector<2048x16xf32>
      %get3A_108 = arith.constant 1 : index
      %get3A_109 = arith.index_cast %multiple_of3A : i32 to index
      %get3A_110 = arith.constant 0 : index
      %get3A_111 = vector.load %arg3[%get3A_108, %get3A_109, %get3A_110] : memref<2x10240x16xf32, #tpu.memory_space<vmem>>, vector<1x2048x16xf32>
      %get3A_112 = vector.shape_cast %get3A_111 : vector<1x2048x16xf32> to vector<2048x16xf32>
      %add3A_113 = arith.addf %get3A_107, %get3A_112 : vector<2048x16xf32>
      %dot_general3A_114 = arith.constant dense<0.000000e+00> : vector<1x128xf32>
      %dot_general3A_115 = tpu.matmul %get3A_102, %dot_general3A_99, %dot_general3A_114 {dimension_numbers = #tpu.dot_dimension_numbers<[1], [0], [0], [1], [0, 0, 1, 1], [], []>, precision = #tpu.contract_precision<fp32>, transpose_lhs_hint = false} : vector<1x2048xf32>, vector<2048x128xf32>, vector<1x128xf32> -> vector<1x128xf32>
      %add3A_116 = arith.addf %scan3A_90, %dot_general3A_115 : vector<1x128xf32>
      %mul3A_117 = arith.mulf %dot_general3A_99, %dot_general3A_99 : vector<2048x128xf32>
      %dot_general3A_118 = arith.constant dense<0.000000e+00> : vector<1x128xf32>
      %dot_general3A_119 = tpu.matmul %get3A_102, %mul3A_117, %dot_general3A_118 {dimension_numbers = #tpu.dot_dimension_numbers<[1], [0], [0], [1], [0, 0, 1, 1], [], []>, precision = #tpu.contract_precision<fp32>, transpose_lhs_hint = false} : vector<1x2048xf32>, vector<2048x128xf32>, vector<1x128xf32> -> vector<1x128xf32>
      %add3A_120 = arith.addf %scan3A_91, %dot_general3A_119 : vector<1x128xf32>
      %dot_general3A_121 = arith.constant dense<0.000000e+00> : vector<2048x128xf32>
      %dot_general3A_122 = tpu.matmul %add3A_113, %get3A_4, %dot_general3A_121 {dimension_numbers = #tpu.dot_dimension_numbers<[1], [0], [0], [1], [0, 0, 1, 1], [], []>, precision = #tpu.contract_precision<fp32>, transpose_lhs_hint = false} : vector<2048x16xf32>, vector<16x128xf32>, vector<2048x128xf32> -> vector<2048x128xf32>
      %mul3A_123 = arith.mulf %dot_general3A_99, %dot_general3A_122 : vector<2048x128xf32>
      %reduce_sum3A_124 = arith.constant dense<0.000000e+00> : vector<128xf32>
      %reduce_sum3A_125 = vector.multi_reduction <add>, %mul3A_123, %reduce_sum3A_124 [0] : vector<2048x128xf32> to vector<128xf32>
      %broadcast_in_dim3A_126 = vector.shape_cast %reduce_sum3A_125 : vector<128xf32> to vector<1x128xf32>
      %add3A_127 = arith.addf %scan3A_92, %broadcast_in_dim3A_126 : vector<1x128xf32>
      scf.yield %add3A_116, %add3A_120, %add3A_127 : vector<1x128xf32>, vector<1x128xf32>, vector<1x128xf32>
    }
    %scan3A_26 = arith.constant 5 : i32
    %dot_general3A = arith.constant dense<0.000000e+00> : vector<1x128xf32>
    %dot_general3A_27 = tpu.matmul %get3A_16, %get3A_4, %dot_general3A {dimension_numbers = #tpu.dot_dimension_numbers<[1], [0], [0], [1], [0, 0, 1, 1], [], []>, precision = #tpu.contract_precision<fp32>, transpose_lhs_hint = false} : vector<1x16xf32>, vector<16x128xf32>, vector<1x128xf32> -> vector<1x128xf32>
    %dot_general3A_28 = arith.constant dense<0.000000e+00> : vector<16x128xf32>
    %dot_general3A_29 = tpu.matmul %get3A_19, %get3A_4, %dot_general3A_28 {dimension_numbers = #tpu.dot_dimension_numbers<[1], [0], [0], [1], [0, 0, 1, 1], [], []>, precision = #tpu.contract_precision<fp32>, transpose_lhs_hint = false} : vector<16x16xf32>, vector<16x128xf32>, vector<16x128xf32> -> vector<16x128xf32>
    %mul3A = arith.mulf %get3A_4, %dot_general3A_29 : vector<16x128xf32>
    %reduce_sum3A_30 = arith.constant dense<0.000000e+00> : vector<128xf32>
    %reduce_sum3A_31 = vector.multi_reduction <add>, %mul3A, %reduce_sum3A_30 [0] : vector<16x128xf32> to vector<128xf32>
    %broadcast_in_dim3A_32 = vector.shape_cast %reduce_sum3A_31 : vector<128xf32> to vector<1x128xf32>
    %add3A = arith.addf %scan3A_25#0, %dot_general3A_27 : vector<1x128xf32>
    %mul3A_33 = arith.constant 3.200000e+05 : f32
    %mul3A_34 = vector.broadcast %mul3A_33 : f32 to vector<1x128xf32>
    %mul3A_35 = arith.mulf %mul3A_34, %get3A_7 : vector<1x128xf32>
    %add3A_36 = arith.addf %add3A, %mul3A_35 : vector<1x128xf32>
    %mul3A_37 = arith.constant 2.000000e+00 : f32
    %mul3A_38 = vector.broadcast %mul3A_37 : f32 to vector<1x128xf32>
    %mul3A_39 = arith.mulf %mul3A_38, %scan3A_25#2 : vector<1x128xf32>
    %add3A_40 = arith.addf %scan3A_25#1, %mul3A_39 : vector<1x128xf32>
    %mul3A_41 = arith.constant 2.000000e+00 : f32
    %mul3A_42 = vector.broadcast %mul3A_41 : f32 to vector<1x128xf32>
    %mul3A_43 = arith.mulf %mul3A_42, %get3A_7 : vector<1x128xf32>
    %mul3A_44 = arith.mulf %mul3A_43, %scan3A_25#0 : vector<1x128xf32>
    %add3A_45 = arith.addf %add3A_40, %mul3A_44 : vector<1x128xf32>
    %add3A_46 = arith.addf %add3A_45, %broadcast_in_dim3A_32 : vector<1x128xf32>
    %mul3A_47 = arith.constant 2.000000e+00 : f32
    %mul3A_48 = vector.broadcast %mul3A_47 : f32 to vector<1x128xf32>
    %mul3A_49 = arith.mulf %mul3A_48, %get3A_7 : vector<1x128xf32>
    %mul3A_50 = arith.mulf %mul3A_49, %dot_general3A_27 : vector<1x128xf32>
    %add3A_51 = arith.addf %add3A_46, %mul3A_50 : vector<1x128xf32>
    %mul3A_52 = arith.constant 3.200000e+05 : f32
    %mul3A_53 = vector.broadcast %mul3A_52 : f32 to vector<1x128xf32>
    %mul3A_54 = arith.mulf %mul3A_53, %get3A_7 : vector<1x128xf32>
    %mul3A_55 = arith.mulf %mul3A_54, %get3A_7 : vector<1x128xf32>
    %add3A_56 = arith.addf %add3A_51, %mul3A_55 : vector<1x128xf32>
    %div3A = arith.constant 3.200000e+05 : f32
    %div3A_57 = vector.broadcast %div3A : f32 to vector<1x128xf32>
    %div3A_58 = arith.divf %add3A_36, %div3A_57 : vector<1x128xf32>
    %div3A_59 = arith.constant 3.200000e+05 : f32
    %div3A_60 = vector.broadcast %div3A_59 : f32 to vector<1x128xf32>
    %div3A_61 = arith.divf %add3A_56, %div3A_60 : vector<1x128xf32>
    %mul3A_62 = arith.mulf %div3A_58, %div3A_58 : vector<1x128xf32>
    %sub3A = arith.subf %div3A_61, %mul3A_62 : vector<1x128xf32>
    %get3A_63 = arith.constant 0 : index
    %get3A_64 = arith.constant 0 : index
    %get3A_65 = vector.load %arg8[%get3A_63, %get3A_64] : memref<1x128xf32, #tpu.memory_space<vmem>>, vector<1x128xf32>
    %add3A_66 = arith.constant 9.99999974E-6 : f32
    %add3A_67 = vector.broadcast %add3A_66 : f32 to vector<1x128xf32>
    %add3A_68 = arith.addf %sub3A, %add3A_67 : vector<1x128xf32>
    %rsqrt3A = math.rsqrt %add3A_68 : vector<1x128xf32>
    %mul3A_69 = arith.mulf %get3A_65, %rsqrt3A : vector<1x128xf32>
    %sub3A_70 = arith.subf %get3A_7, %div3A_58 : vector<1x128xf32>
    %mul3A_71 = arith.mulf %sub3A_70, %mul3A_69 : vector<1x128xf32>
    %get3A_72 = arith.constant 0 : index
    %get3A_73 = arith.constant 0 : index
    %get3A_74 = vector.load %arg9[%get3A_72, %get3A_73] : memref<1x128xf32, #tpu.memory_space<vmem>>, vector<1x128xf32>
    %add3A_75 = arith.addf %mul3A_71, %get3A_74 : vector<1x128xf32>
    %swap3A_76 = arith.constant 0 : index
    %swap3A_77 = arith.constant 0 : index
    %swap3A_78 = vector.load %arg12[%swap3A_76, %swap3A_77] : memref<1x128xf32, #tpu.memory_space<vmem>>, vector<1x128xf32>
    tpu.vector_store %arg12[%swap3A_76, %swap3A_77], %add3A_75 {strides = array<i32>} : memref<1x128xf32, #tpu.memory_space<vmem>>, vector<1x128xf32>,
    %mul3A_79 = vector.broadcast %mul3A_69 : vector<1x128xf32> to vector<16x128xf32>
    %mul3A_80 = arith.mulf %get3A_4, %mul3A_79 : vector<16x128xf32>
    %swap3A_81 = arith.constant 0 : index
    %swap3A_82 = arith.constant 0 : index
    %swap3A_83 = vector.load %arg11[%swap3A_81, %swap3A_82] : memref<16x128xf32, #tpu.memory_space<vmem>>, vector<16x128xf32>
    tpu.vector_store %arg11[%swap3A_81, %swap3A_82], %mul3A_80 {strides = array<i32>} : memref<16x128xf32, #tpu.memory_space<vmem>>, vector<16x128xf32>,
    %scan3A_84 = arith.constant 0 : i32
    %scan3A_85 = arith.constant 5 : i32
    %scan3A_86 = arith.addi %scan3A_84, %scan3A_85 : i32
    %scan3A_87 = arith.constant 1 : i32
    scf.for %scan3A_89 = %scan3A_84 to %scan3A_86 step %scan3A_87  : i32 {
      %mul3A_90 = arith.constant 2048 : i32
      %mul3A_91 = arith.muli %scan3A_89, %mul3A_90 : i32
      %multiple_of3A = tpu.assume_multiple %mul3A_91, 2048 : i32
      %get3A_92 = arith.index_cast %multiple_of3A : i32 to index
      %get3A_93 = arith.constant 0 : index
      %get3A_94 = vector.load %arg1[%get3A_92, %get3A_93] : memref<10240x128xf32, #tpu.memory_space<vmem>>, vector<2048x128xf32>
      %dot_general3A_95 = arith.constant dense<0.000000e+00> : vector<2048x128xf32>
      %dot_general3A_96 = tpu.matmul %get3A_94, %get3A_1, %dot_general3A_95 {dimension_numbers = #tpu.dot_dimension_numbers<[1], [0], [0], [1], [0, 0, 1, 1], [], []>, precision = #tpu.contract_precision<fp32>, transpose_lhs_hint = false} : vector<2048x128xf32>, vector<128x128xf32>, vector<2048x128xf32> -> vector<2048x128xf32>
      %mul3A_97 = vector.broadcast %mul3A_69 : vector<1x128xf32> to vector<2048x128xf32>
      %mul3A_98 = arith.mulf %dot_general3A_96, %mul3A_97 : vector<2048x128xf32>
      %swap3A_99 = arith.index_cast %multiple_of3A : i32 to index
      %swap3A_100 = arith.constant 0 : index
      %swap3A_101 = vector.load %arg10[%swap3A_99, %swap3A_100] : memref<10240x128xf32, #tpu.memory_space<vmem>>, vector<2048x128xf32>
      tpu.vector_store %arg10[%swap3A_99, %swap3A_100], %mul3A_98 {strides = array<i32>} : memref<10240x128xf32, #tpu.memory_space<vmem>>, vector<2048x128xf32>,
    }
    %scan3A_88 = arith.constant 5 : i32
    return
  }
  func.func @transform_0(%arg0: i32) -> (i32, i32) {
    %c0_i32 = arith.constant 0 : i32
    %c0_i32_0 = arith.constant 0 : i32
    %c0_i32_1 = arith.constant 0 : i32
    return %c0_i32, %c0_i32_0 : i32, i32
  }
  func.func @transform_1(%arg0: i32) -> (i32, i32) {
    %c0_i32 = arith.constant 0 : i32
    %c0_i32_0 = arith.constant 0 : i32
    %c0_i32_1 = arith.constant 0 : i32
    return %c0_i32, %c0_i32_0 : i32, i32
  }
  func.func @transform_2(%arg0: i32) -> (i32, i32, i32) {
    %c0_i32 = arith.constant 0 : i32
    %c0_i32_0 = arith.constant 0 : i32
    %c0_i32_1 = arith.constant 0 : i32
    %c0_i32_2 = arith.constant 0 : i32
    return %c0_i32, %c0_i32_0, %c0_i32_1 : i32, i32, i32
  }
  func.func @transform_3(%arg0: i32) -> (i32, i32) {
    %c0_i32 = arith.constant 0 : i32
    %c0_i32_0 = arith.constant 0 : i32
    %c0_i32_1 = arith.constant 0 : i32
    return %c0_i32, %c0_i32_0 : i32, i32
  }
  func.func @transform_4(%arg0: i32) -> (i32, i32) {
    %c0_i32 = arith.constant 0 : i32
    %c0_i32_0 = arith.constant 0 : i32
    %c0_i32_1 = arith.constant 0 : i32
    return %c0_i32, %c0_i32_0 : i32, i32
  }
  func.func @transform_5(%arg0: i32) -> (i32, i32) {
    %c0_i32 = arith.constant 0 : i32
    %c0_i32_0 = arith.constant 0 : i32
    %c0_i32_1 = arith.constant 0 : i32
    return %c0_i32, %c0_i32_0 : i32, i32
  }
  func.func @transform_6(%arg0: i32) -> (i32, i32) {
    %c0_i32 = arith.constant 0 : i32
    %c0_i32_0 = arith.constant 0 : i32
    %c0_i32_1 = arith.constant 0 : i32
    return %c0_i32, %c0_i32_0 : i32, i32
  }
  func.func @transform_7(%arg0: i32) -> (i32, i32) {
    %c0_i32 = arith.constant 0 : i32
    %c0_i32_0 = arith.constant 0 : i32
    %c0_i32_1 = arith.constant 0 : i32
    return %c0_i32, %c0_i32_0 : i32, i32
  }
  func.func @transform_8(%arg0: i32) -> (i32, i32) {
    %c0_i32 = arith.constant 0 : i32
    %c0_i32_0 = arith.constant 0 : i32
    %c0_i32_1 = arith.constant 0 : i32
    return %c0_i32, %c0_i32_0 : i32, i32
  }
  func.func @transform_9(%arg0: i32) -> (i32, i32) {
    %c0_i32 = arith.constant 0 : i32
    %c0_i32_0 = arith.constant 0 : i32
    %c0_i32_1 = arith.constant 0 : i32
    return %c0_i32, %c0_i32_0 : i32, i32
  }
  func.func @transform_10(%arg0: i32) -> (i32, i32) {
    %c0_i32 = arith.constant 0 : i32
    %c0_i32_0 = arith.constant 0 : i32
    %c0_i32_1 = arith.constant 0 : i32
    return %c0_i32, %c0_i32_0 : i32, i32
  }
  func.func @transform_11(%arg0: i32) -> (i32, i32) {
    %c0_i32 = arith.constant 0 : i32
    %c0_i32_0 = arith.constant 0 : i32
    %c0_i32_1 = arith.constant 0 : i32
    return %c0_i32, %c0_i32_0 : i32, i32
  }
}

module attributes {stable_mosaic.version = 14 : i64} {
  func.func @_tc_z_body(%arg0: i32, %arg1: memref<2048x128xf32, #tpu.memory_space<vmem>>, %arg2: memref<128x1024xf32, #tpu.memory_space<vmem>>, %arg3: memref<1x1024xf32, #tpu.memory_space<vmem>>, %arg4: memref<2048x1024xf32, #tpu.memory_space<vmem>>) attributes {dimension_semantics = [#tpu.dimension_semantics<arbitrary>], iteration_bounds = array<i64: 20>, scalar_prefetch = 0 : i64, scratch_operands = 0 : i64, tpu.core_type = #tpu.core_type<tc>, window_params = [{transform_indices = @transform_0, window_bounds = array<i64: 2048, 128>}, {pipeline_mode = #tpu.pipeline_mode<synchronous>, transform_indices = @transform_1, window_bounds = array<i64: 128, 1024>}, {pipeline_mode = #tpu.pipeline_mode<synchronous>, transform_indices = @transform_2, window_bounds = array<i64: 1, 1024>}, {transform_indices = @transform_3, window_bounds = array<i64: 2048, 1024>}]} {
    %get3A = arith.constant 0 : index
    %get3A_0 = arith.constant 0 : index
    %get3A_1 = vector.load %arg1[%get3A, %get3A_0] : memref<2048x128xf32, #tpu.memory_space<vmem>>, vector<2048x128xf32>
    %get3A_2 = arith.constant 0 : index
    %get3A_3 = arith.constant 0 : index
    %get3A_4 = vector.load %arg2[%get3A_2, %get3A_3] : memref<128x1024xf32, #tpu.memory_space<vmem>>, vector<128x1024xf32>
    %dot_general3A = arith.constant dense<0.000000e+00> : vector<2048x1024xf32>
    %dot_general3A_5 = tpu.matmul %get3A_1, %get3A_4, %dot_general3A {dimension_numbers = #tpu.dot_dimension_numbers<[1], [0], [0], [1], [0, 0, 1, 1], [], []>, transpose_lhs_hint = false} : vector<2048x128xf32>, vector<128x1024xf32>, vector<2048x1024xf32> -> vector<2048x1024xf32>
    %get3A_6 = arith.constant 0 : index
    %get3A_7 = arith.constant 0 : index
    %get3A_8 = vector.load %arg3[%get3A_6, %get3A_7] : memref<1x1024xf32, #tpu.memory_space<vmem>>, vector<1x1024xf32>
    %add3A = vector.broadcast %get3A_8 : vector<1x1024xf32> to vector<2048x1024xf32>
    %add3A_9 = arith.addf %dot_general3A_5, %add3A : vector<2048x1024xf32>
    %swap3A = arith.constant 0 : index
    %swap3A_10 = arith.constant 0 : index
    %swap3A_11 = vector.load %arg4[%swap3A, %swap3A_10] : memref<2048x1024xf32, #tpu.memory_space<vmem>>, vector<2048x1024xf32>
    tpu.vector_store %arg4[%swap3A, %swap3A_10], %add3A_9 {strides = array<i32>} : memref<2048x1024xf32, #tpu.memory_space<vmem>>, vector<2048x1024xf32>,
    return
  }
  func.func @transform_0(%arg0: i32) -> (i32, i32) {
    %c0_i32 = arith.constant 0 : i32
    %c0_i32_0 = arith.constant 0 : i32
    return %arg0, %c0_i32 : i32, i32
  }
  func.func @transform_1(%arg0: i32) -> (i32, i32) {
    %c0_i32 = arith.constant 0 : i32
    %c0_i32_0 = arith.constant 0 : i32
    %c0_i32_1 = arith.constant 0 : i32
    return %c0_i32, %c0_i32_0 : i32, i32
  }
  func.func @transform_2(%arg0: i32) -> (i32, i32) {
    %c0_i32 = arith.constant 0 : i32
    %c0_i32_0 = arith.constant 0 : i32
    %c0_i32_1 = arith.constant 0 : i32
    return %c0_i32, %c0_i32_0 : i32, i32
  }
  func.func @transform_3(%arg0: i32) -> (i32, i32) {
    %c0_i32 = arith.constant 0 : i32
    %c0_i32_0 = arith.constant 0 : i32
    return %arg0, %c0_i32 : i32, i32
  }
}

module attributes {stable_mosaic.version = 14 : i64} {
  func.func @_tc_node_body(%arg0: i32, %arg1: memref<10000x128xf32, #tpu.memory_space<vmem>>, %arg2: memref<2x10000x128xf32, #tpu.memory_space<vmem>>, %arg3: memref<10000x32xf32, #tpu.memory_space<vmem>>, %arg4: memref<256x256xf32, #tpu.memory_space<vmem>>, %arg5: memref<1x256xf32, #tpu.memory_space<vmem>>, %arg6: memref<1x256xf32, #tpu.memory_space<vmem>>, %arg7: memref<1x256xf32, #tpu.memory_space<vmem>>, %arg8: memref<256x128xf32, #tpu.memory_space<vmem>>, %arg9: memref<1x128xf32, #tpu.memory_space<vmem>>, %arg10: memref<10000x128xf32, #tpu.memory_space<vmem>>, %arg11: memref<10000x256xf32, #tpu.memory_space<vmem>>) attributes {dimension_semantics = [#tpu.dimension_semantics<arbitrary>], iteration_bounds = array<i64: 1>, scalar_prefetch = 0 : i64, scratch_operands = 1 : i64, tpu.core_type = #tpu.core_type<tc>, window_params = [{pipeline_mode = #tpu.pipeline_mode<synchronous>, transform_indices = @transform_0, window_bounds = array<i64: 10000, 128>}, {transform_indices = @transform_1, window_bounds = array<i64: 2, 10000, 128>}, {transform_indices = @transform_2, window_bounds = array<i64: 10000, 32>}, {pipeline_mode = #tpu.pipeline_mode<synchronous>, transform_indices = @transform_3, window_bounds = array<i64: 256, 256>}, {pipeline_mode = #tpu.pipeline_mode<synchronous>, transform_indices = @transform_4, window_bounds = array<i64: 1, 256>}, {pipeline_mode = #tpu.pipeline_mode<synchronous>, transform_indices = @transform_5, window_bounds = array<i64: 1, 256>}, {pipeline_mode = #tpu.pipeline_mode<synchronous>, transform_indices = @transform_6, window_bounds = array<i64: 1, 256>}, {pipeline_mode = #tpu.pipeline_mode<synchronous>, transform_indices = @transform_7, window_bounds = array<i64: 256, 128>}, {pipeline_mode = #tpu.pipeline_mode<synchronous>, transform_indices = @transform_8, window_bounds = array<i64: 1, 128>}, {pipeline_mode = #tpu.pipeline_mode<synchronous>, transform_indices = @transform_9, window_bounds = array<i64: 10000, 128>}]} {
    %get3A = arith.constant 0 : index
    %get3A_0 = arith.constant 0 : index
    %get3A_1 = vector.load %arg4[%get3A, %get3A_0] : memref<256x256xf32, #tpu.memory_space<vmem>>, vector<128x256xf32>
    %get3A_2 = arith.constant 128 : index
    %get3A_3 = arith.constant 0 : index
    %get3A_4 = vector.load %arg4[%get3A_2, %get3A_3] : memref<256x256xf32, #tpu.memory_space<vmem>>, vector<128x256xf32>
    %broadcast_in_dim3A = arith.constant 0.000000e+00 : f32
    %broadcast_in_dim3A_5 = vector.broadcast %broadcast_in_dim3A : f32 to vector<1x256xf32>
    %broadcast_in_dim3A_6 = arith.constant 0.000000e+00 : f32
    %broadcast_in_dim3A_7 = vector.broadcast %broadcast_in_dim3A_6 : f32 to vector<1x256xf32>
    %get3A_8 = arith.constant 0 : index
    %get3A_9 = arith.constant 0 : index
    %get3A_10 = vector.load %arg3[%get3A_8, %get3A_9] : memref<10000x32xf32, #tpu.memory_space<vmem>>, vector<2000x32xf32>
    %reduce_sum3A = arith.constant dense<0.000000e+00> : vector<2000xf32>
    %reduce_sum3A_11 = vector.multi_reduction <add>, %get3A_10, %reduce_sum3A [1] : vector<2000x32xf32> to vector<2000xf32>
    %broadcast_in_dim3A_12 = vector.shape_cast %reduce_sum3A_11 : vector<2000xf32> to vector<2000x1xf32>
    %get3A_13 = arith.constant 0 : index
    %get3A_14 = arith.constant 0 : index
    %get3A_15 = arith.constant 0 : index
    %get3A_16 = vector.load %arg2[%get3A_13, %get3A_14, %get3A_15] : memref<2x10000x128xf32, #tpu.memory_space<vmem>>, vector<1x2000x128xf32>
    %get3A_17 = vector.shape_cast %get3A_16 : vector<1x2000x128xf32> to vector<2000x128xf32>
    %get3A_18 = arith.constant 1 : index
    %get3A_19 = arith.constant 0 : index
    %get3A_20 = arith.constant 0 : index
    %get3A_21 = vector.load %arg2[%get3A_18, %get3A_19, %get3A_20] : memref<2x10000x128xf32, #tpu.memory_space<vmem>>, vector<1x2000x128xf32>
    %get3A_22 = vector.shape_cast %get3A_21 : vector<1x2000x128xf32> to vector<2000x128xf32>
    %add3A = arith.addf %get3A_17, %get3A_22 : vector<2000x128xf32>
    %max3A = arith.constant 1.000000e+00 : f32
    %max3A_23 = vector.broadcast %max3A : f32 to vector<2000x1xf32>
    %max3A_24 = arith.maximumf %broadcast_in_dim3A_12, %max3A_23 : vector<2000x1xf32>
    %div3A = vector.broadcast %max3A_24 : vector<2000x1xf32> to vector<2000x128xf32>
    %div3A_25 = arith.divf %add3A, %div3A : vector<2000x128xf32>
    %get3A_26 = arith.constant 0 : index
    %get3A_27 = arith.constant 0 : index
    %get3A_28 = vector.load %arg1[%get3A_26, %get3A_27] : memref<10000x128xf32, #tpu.memory_space<vmem>>, vector<2000x128xf32>
    %dot_general3A = arith.constant dense<0.000000e+00> : vector<2000x256xf32>
    %dot_general3A_29 = tpu.matmul %get3A_28, %get3A_1, %dot_general3A {dimension_numbers = #tpu.dot_dimension_numbers<[1], [0], [0], [1], [0, 0, 1, 1], [], []>, precision = #tpu.contract_precision<fp32>, transpose_lhs_hint = false} : vector<2000x128xf32>, vector<128x256xf32>, vector<2000x256xf32> -> vector<2000x256xf32>
    %dot_general3A_30 = arith.constant dense<0.000000e+00> : vector<2000x256xf32>
    %dot_general3A_31 = tpu.matmul %div3A_25, %get3A_4, %dot_general3A_30 {dimension_numbers = #tpu.dot_dimension_numbers<[1], [0], [0], [1], [0, 0, 1, 1], [], []>, precision = #tpu.contract_precision<fp32>, transpose_lhs_hint = false} : vector<2000x128xf32>, vector<128x256xf32>, vector<2000x256xf32> -> vector<2000x256xf32>
    %add3A_32 = arith.addf %dot_general3A_29, %dot_general3A_31 : vector<2000x256xf32>
    %get3A_33 = arith.constant 0 : index
    %get3A_34 = arith.constant 0 : index
    %get3A_35 = vector.load %arg5[%get3A_33, %get3A_34] : memref<1x256xf32, #tpu.memory_space<vmem>>, vector<1x256xf32>
    %add3A_36 = vector.broadcast %get3A_35 : vector<1x256xf32> to vector<2000x256xf32>
    %add3A_37 = arith.addf %add3A_32, %add3A_36 : vector<2000x256xf32>
    %swap3A = arith.constant 0 : index
    %swap3A_38 = arith.constant 0 : index
    %swap3A_39 = vector.load %arg11[%swap3A, %swap3A_38] : memref<10000x256xf32, #tpu.memory_space<vmem>>, vector<2000x256xf32>
    tpu.vector_store %arg11[%swap3A, %swap3A_38], %add3A_37 {strides = array<i32>} : memref<10000x256xf32, #tpu.memory_space<vmem>>, vector<2000x256xf32>,
    %reduce_sum3A_40 = arith.constant dense<0.000000e+00> : vector<256xf32>
    %reduce_sum3A_41 = vector.multi_reduction <add>, %add3A_37, %reduce_sum3A_40 [0] : vector<2000x256xf32> to vector<256xf32>
    %broadcast_in_dim3A_42 = vector.shape_cast %reduce_sum3A_41 : vector<256xf32> to vector<1x256xf32>
    %add3A_43 = arith.addf %broadcast_in_dim3A_5, %broadcast_in_dim3A_42 : vector<1x256xf32>
    %mul3A = arith.mulf %add3A_37, %add3A_37 : vector<2000x256xf32>
    %reduce_sum3A_44 = arith.constant dense<0.000000e+00> : vector<256xf32>
    %reduce_sum3A_45 = vector.multi_reduction <add>, %mul3A, %reduce_sum3A_44 [0] : vector<2000x256xf32> to vector<256xf32>
    %broadcast_in_dim3A_46 = vector.shape_cast %reduce_sum3A_45 : vector<256xf32> to vector<1x256xf32>
    %add3A_47 = arith.addf %broadcast_in_dim3A_7, %broadcast_in_dim3A_46 : vector<1x256xf32>
    %get3A_48 = arith.constant 2000 : index
    %get3A_49 = arith.constant 0 : index
    %get3A_50 = vector.load %arg3[%get3A_48, %get3A_49] : memref<10000x32xf32, #tpu.memory_space<vmem>>, vector<2000x32xf32>
    %reduce_sum3A_51 = arith.constant dense<0.000000e+00> : vector<2000xf32>
    %reduce_sum3A_52 = vector.multi_reduction <add>, %get3A_50, %reduce_sum3A_51 [1] : vector<2000x32xf32> to vector<2000xf32>
    %broadcast_in_dim3A_53 = vector.shape_cast %reduce_sum3A_52 : vector<2000xf32> to vector<2000x1xf32>
    %get3A_54 = arith.constant 0 : index
    %get3A_55 = arith.constant 2000 : index
    %get3A_56 = arith.constant 0 : index
    %get3A_57 = vector.load %arg2[%get3A_54, %get3A_55, %get3A_56] : memref<2x10000x128xf32, #tpu.memory_space<vmem>>, vector<1x2000x128xf32>
    %get3A_58 = vector.shape_cast %get3A_57 : vector<1x2000x128xf32> to vector<2000x128xf32>
    %get3A_59 = arith.constant 1 : index
    %get3A_60 = arith.constant 2000 : index
    %get3A_61 = arith.constant 0 : index
    %get3A_62 = vector.load %arg2[%get3A_59, %get3A_60, %get3A_61] : memref<2x10000x128xf32, #tpu.memory_space<vmem>>, vector<1x2000x128xf32>
    %get3A_63 = vector.shape_cast %get3A_62 : vector<1x2000x128xf32> to vector<2000x128xf32>
    %add3A_64 = arith.addf %get3A_58, %get3A_63 : vector<2000x128xf32>
    %max3A_65 = arith.constant 1.000000e+00 : f32
    %max3A_66 = vector.broadcast %max3A_65 : f32 to vector<2000x1xf32>
    %max3A_67 = arith.maximumf %broadcast_in_dim3A_53, %max3A_66 : vector<2000x1xf32>
    %div3A_68 = vector.broadcast %max3A_67 : vector<2000x1xf32> to vector<2000x128xf32>
    %div3A_69 = arith.divf %add3A_64, %div3A_68 : vector<2000x128xf32>
    %get3A_70 = arith.constant 2000 : index
    %get3A_71 = arith.constant 0 : index
    %get3A_72 = vector.load %arg1[%get3A_70, %get3A_71] : memref<10000x128xf32, #tpu.memory_space<vmem>>, vector<2000x128xf32>
    %dot_general3A_73 = arith.constant dense<0.000000e+00> : vector<2000x256xf32>
    %dot_general3A_74 = tpu.matmul %get3A_72, %get3A_1, %dot_general3A_73 {dimension_numbers = #tpu.dot_dimension_numbers<[1], [0], [0], [1], [0, 0, 1, 1], [], []>, precision = #tpu.contract_precision<fp32>, transpose_lhs_hint = false} : vector<2000x128xf32>, vector<128x256xf32>, vector<2000x256xf32> -> vector<2000x256xf32>
    %dot_general3A_75 = arith.constant dense<0.000000e+00> : vector<2000x256xf32>
    %dot_general3A_76 = tpu.matmul %div3A_69, %get3A_4, %dot_general3A_75 {dimension_numbers = #tpu.dot_dimension_numbers<[1], [0], [0], [1], [0, 0, 1, 1], [], []>, precision = #tpu.contract_precision<fp32>, transpose_lhs_hint = false} : vector<2000x128xf32>, vector<128x256xf32>, vector<2000x256xf32> -> vector<2000x256xf32>
    %add3A_77 = arith.addf %dot_general3A_74, %dot_general3A_76 : vector<2000x256xf32>
    %get3A_78 = arith.constant 0 : index
    %get3A_79 = arith.constant 0 : index
    %get3A_80 = vector.load %arg5[%get3A_78, %get3A_79] : memref<1x256xf32, #tpu.memory_space<vmem>>, vector<1x256xf32>
    %add3A_81 = vector.broadcast %get3A_80 : vector<1x256xf32> to vector<2000x256xf32>
    %add3A_82 = arith.addf %add3A_77, %add3A_81 : vector<2000x256xf32>
    %swap3A_83 = arith.constant 2000 : index
    %swap3A_84 = arith.constant 0 : index
    %swap3A_85 = vector.load %arg11[%swap3A_83, %swap3A_84] : memref<10000x256xf32, #tpu.memory_space<vmem>>, vector<2000x256xf32>
    tpu.vector_store %arg11[%swap3A_83, %swap3A_84], %add3A_82 {strides = array<i32>} : memref<10000x256xf32, #tpu.memory_space<vmem>>, vector<2000x256xf32>,
    %reduce_sum3A_86 = arith.constant dense<0.000000e+00> : vector<256xf32>
    %reduce_sum3A_87 = vector.multi_reduction <add>, %add3A_82, %reduce_sum3A_86 [0] : vector<2000x256xf32> to vector<256xf32>
    %broadcast_in_dim3A_88 = vector.shape_cast %reduce_sum3A_87 : vector<256xf32> to vector<1x256xf32>
    %add3A_89 = arith.addf %add3A_43, %broadcast_in_dim3A_88 : vector<1x256xf32>
    %mul3A_90 = arith.mulf %add3A_82, %add3A_82 : vector<2000x256xf32>
    %reduce_sum3A_91 = arith.constant dense<0.000000e+00> : vector<256xf32>
    %reduce_sum3A_92 = vector.multi_reduction <add>, %mul3A_90, %reduce_sum3A_91 [0] : vector<2000x256xf32> to vector<256xf32>
    %broadcast_in_dim3A_93 = vector.shape_cast %reduce_sum3A_92 : vector<256xf32> to vector<1x256xf32>
    %add3A_94 = arith.addf %add3A_47, %broadcast_in_dim3A_93 : vector<1x256xf32>
    %get3A_95 = arith.constant 4000 : index
    %get3A_96 = arith.constant 0 : index
    %get3A_97 = vector.load %arg3[%get3A_95, %get3A_96] : memref<10000x32xf32, #tpu.memory_space<vmem>>, vector<2000x32xf32>
    %reduce_sum3A_98 = arith.constant dense<0.000000e+00> : vector<2000xf32>
    %reduce_sum3A_99 = vector.multi_reduction <add>, %get3A_97, %reduce_sum3A_98 [1] : vector<2000x32xf32> to vector<2000xf32>
    %broadcast_in_dim3A_100 = vector.shape_cast %reduce_sum3A_99 : vector<2000xf32> to vector<2000x1xf32>
    %get3A_101 = arith.constant 0 : index
    %get3A_102 = arith.constant 4000 : index
    %get3A_103 = arith.constant 0 : index
    %get3A_104 = vector.load %arg2[%get3A_101, %get3A_102, %get3A_103] : memref<2x10000x128xf32, #tpu.memory_space<vmem>>, vector<1x2000x128xf32>
    %get3A_105 = vector.shape_cast %get3A_104 : vector<1x2000x128xf32> to vector<2000x128xf32>
    %get3A_106 = arith.constant 1 : index
    %get3A_107 = arith.constant 4000 : index
    %get3A_108 = arith.constant 0 : index
    %get3A_109 = vector.load %arg2[%get3A_106, %get3A_107, %get3A_108] : memref<2x10000x128xf32, #tpu.memory_space<vmem>>, vector<1x2000x128xf32>
    %get3A_110 = vector.shape_cast %get3A_109 : vector<1x2000x128xf32> to vector<2000x128xf32>
    %add3A_111 = arith.addf %get3A_105, %get3A_110 : vector<2000x128xf32>
    %max3A_112 = arith.constant 1.000000e+00 : f32
    %max3A_113 = vector.broadcast %max3A_112 : f32 to vector<2000x1xf32>
    %max3A_114 = arith.maximumf %broadcast_in_dim3A_100, %max3A_113 : vector<2000x1xf32>
    %div3A_115 = vector.broadcast %max3A_114 : vector<2000x1xf32> to vector<2000x128xf32>
    %div3A_116 = arith.divf %add3A_111, %div3A_115 : vector<2000x128xf32>
    %get3A_117 = arith.constant 4000 : index
    %get3A_118 = arith.constant 0 : index
    %get3A_119 = vector.load %arg1[%get3A_117, %get3A_118] : memref<10000x128xf32, #tpu.memory_space<vmem>>, vector<2000x128xf32>
    %dot_general3A_120 = arith.constant dense<0.000000e+00> : vector<2000x256xf32>
    %dot_general3A_121 = tpu.matmul %get3A_119, %get3A_1, %dot_general3A_120 {dimension_numbers = #tpu.dot_dimension_numbers<[1], [0], [0], [1], [0, 0, 1, 1], [], []>, precision = #tpu.contract_precision<fp32>, transpose_lhs_hint = false} : vector<2000x128xf32>, vector<128x256xf32>, vector<2000x256xf32> -> vector<2000x256xf32>
    %dot_general3A_122 = arith.constant dense<0.000000e+00> : vector<2000x256xf32>
    %dot_general3A_123 = tpu.matmul %div3A_116, %get3A_4, %dot_general3A_122 {dimension_numbers = #tpu.dot_dimension_numbers<[1], [0], [0], [1], [0, 0, 1, 1], [], []>, precision = #tpu.contract_precision<fp32>, transpose_lhs_hint = false} : vector<2000x128xf32>, vector<128x256xf32>, vector<2000x256xf32> -> vector<2000x256xf32>
    %add3A_124 = arith.addf %dot_general3A_121, %dot_general3A_123 : vector<2000x256xf32>
    %get3A_125 = arith.constant 0 : index
    %get3A_126 = arith.constant 0 : index
    %get3A_127 = vector.load %arg5[%get3A_125, %get3A_126] : memref<1x256xf32, #tpu.memory_space<vmem>>, vector<1x256xf32>
    %add3A_128 = vector.broadcast %get3A_127 : vector<1x256xf32> to vector<2000x256xf32>
    %add3A_129 = arith.addf %add3A_124, %add3A_128 : vector<2000x256xf32>
    %swap3A_130 = arith.constant 4000 : index
    %swap3A_131 = arith.constant 0 : index
    %swap3A_132 = vector.load %arg11[%swap3A_130, %swap3A_131] : memref<10000x256xf32, #tpu.memory_space<vmem>>, vector<2000x256xf32>
    tpu.vector_store %arg11[%swap3A_130, %swap3A_131], %add3A_129 {strides = array<i32>} : memref<10000x256xf32, #tpu.memory_space<vmem>>, vector<2000x256xf32>,
    %reduce_sum3A_133 = arith.constant dense<0.000000e+00> : vector<256xf32>
    %reduce_sum3A_134 = vector.multi_reduction <add>, %add3A_129, %reduce_sum3A_133 [0] : vector<2000x256xf32> to vector<256xf32>
    %broadcast_in_dim3A_135 = vector.shape_cast %reduce_sum3A_134 : vector<256xf32> to vector<1x256xf32>
    %add3A_136 = arith.addf %add3A_89, %broadcast_in_dim3A_135 : vector<1x256xf32>
    %mul3A_137 = arith.mulf %add3A_129, %add3A_129 : vector<2000x256xf32>
    %reduce_sum3A_138 = arith.constant dense<0.000000e+00> : vector<256xf32>
    %reduce_sum3A_139 = vector.multi_reduction <add>, %mul3A_137, %reduce_sum3A_138 [0] : vector<2000x256xf32> to vector<256xf32>
    %broadcast_in_dim3A_140 = vector.shape_cast %reduce_sum3A_139 : vector<256xf32> to vector<1x256xf32>
    %add3A_141 = arith.addf %add3A_94, %broadcast_in_dim3A_140 : vector<1x256xf32>
    %get3A_142 = arith.constant 6000 : index
    %get3A_143 = arith.constant 0 : index
    %get3A_144 = vector.load %arg3[%get3A_142, %get3A_143] : memref<10000x32xf32, #tpu.memory_space<vmem>>, vector<2000x32xf32>
    %reduce_sum3A_145 = arith.constant dense<0.000000e+00> : vector<2000xf32>
    %reduce_sum3A_146 = vector.multi_reduction <add>, %get3A_144, %reduce_sum3A_145 [1] : vector<2000x32xf32> to vector<2000xf32>
    %broadcast_in_dim3A_147 = vector.shape_cast %reduce_sum3A_146 : vector<2000xf32> to vector<2000x1xf32>
    %get3A_148 = arith.constant 0 : index
    %get3A_149 = arith.constant 6000 : index
    %get3A_150 = arith.constant 0 : index
    %get3A_151 = vector.load %arg2[%get3A_148, %get3A_149, %get3A_150] : memref<2x10000x128xf32, #tpu.memory_space<vmem>>, vector<1x2000x128xf32>
    %get3A_152 = vector.shape_cast %get3A_151 : vector<1x2000x128xf32> to vector<2000x128xf32>
    %get3A_153 = arith.constant 1 : index
    %get3A_154 = arith.constant 6000 : index
    %get3A_155 = arith.constant 0 : index
    %get3A_156 = vector.load %arg2[%get3A_153, %get3A_154, %get3A_155] : memref<2x10000x128xf32, #tpu.memory_space<vmem>>, vector<1x2000x128xf32>
    %get3A_157 = vector.shape_cast %get3A_156 : vector<1x2000x128xf32> to vector<2000x128xf32>
    %add3A_158 = arith.addf %get3A_152, %get3A_157 : vector<2000x128xf32>
    %max3A_159 = arith.constant 1.000000e+00 : f32
    %max3A_160 = vector.broadcast %max3A_159 : f32 to vector<2000x1xf32>
    %max3A_161 = arith.maximumf %broadcast_in_dim3A_147, %max3A_160 : vector<2000x1xf32>
    %div3A_162 = vector.broadcast %max3A_161 : vector<2000x1xf32> to vector<2000x128xf32>
    %div3A_163 = arith.divf %add3A_158, %div3A_162 : vector<2000x128xf32>
    %get3A_164 = arith.constant 6000 : index
    %get3A_165 = arith.constant 0 : index
    %get3A_166 = vector.load %arg1[%get3A_164, %get3A_165] : memref<10000x128xf32, #tpu.memory_space<vmem>>, vector<2000x128xf32>
    %dot_general3A_167 = arith.constant dense<0.000000e+00> : vector<2000x256xf32>
    %dot_general3A_168 = tpu.matmul %get3A_166, %get3A_1, %dot_general3A_167 {dimension_numbers = #tpu.dot_dimension_numbers<[1], [0], [0], [1], [0, 0, 1, 1], [], []>, precision = #tpu.contract_precision<fp32>, transpose_lhs_hint = false} : vector<2000x128xf32>, vector<128x256xf32>, vector<2000x256xf32> -> vector<2000x256xf32>
    %dot_general3A_169 = arith.constant dense<0.000000e+00> : vector<2000x256xf32>
    %dot_general3A_170 = tpu.matmul %div3A_163, %get3A_4, %dot_general3A_169 {dimension_numbers = #tpu.dot_dimension_numbers<[1], [0], [0], [1], [0, 0, 1, 1], [], []>, precision = #tpu.contract_precision<fp32>, transpose_lhs_hint = false} : vector<2000x128xf32>, vector<128x256xf32>, vector<2000x256xf32> -> vector<2000x256xf32>
    %add3A_171 = arith.addf %dot_general3A_168, %dot_general3A_170 : vector<2000x256xf32>
    %get3A_172 = arith.constant 0 : index
    %get3A_173 = arith.constant 0 : index
    %get3A_174 = vector.load %arg5[%get3A_172, %get3A_173] : memref<1x256xf32, #tpu.memory_space<vmem>>, vector<1x256xf32>
    %add3A_175 = vector.broadcast %get3A_174 : vector<1x256xf32> to vector<2000x256xf32>
    %add3A_176 = arith.addf %add3A_171, %add3A_175 : vector<2000x256xf32>
    %swap3A_177 = arith.constant 6000 : index
    %swap3A_178 = arith.constant 0 : index
    %swap3A_179 = vector.load %arg11[%swap3A_177, %swap3A_178] : memref<10000x256xf32, #tpu.memory_space<vmem>>, vector<2000x256xf32>
    tpu.vector_store %arg11[%swap3A_177, %swap3A_178], %add3A_176 {strides = array<i32>} : memref<10000x256xf32, #tpu.memory_space<vmem>>, vector<2000x256xf32>,
    %reduce_sum3A_180 = arith.constant dense<0.000000e+00> : vector<256xf32>
    %reduce_sum3A_181 = vector.multi_reduction <add>, %add3A_176, %reduce_sum3A_180 [0] : vector<2000x256xf32> to vector<256xf32>
    %broadcast_in_dim3A_182 = vector.shape_cast %reduce_sum3A_181 : vector<256xf32> to vector<1x256xf32>
    %add3A_183 = arith.addf %add3A_136, %broadcast_in_dim3A_182 : vector<1x256xf32>
    %mul3A_184 = arith.mulf %add3A_176, %add3A_176 : vector<2000x256xf32>
    %reduce_sum3A_185 = arith.constant dense<0.000000e+00> : vector<256xf32>
    %reduce_sum3A_186 = vector.multi_reduction <add>, %mul3A_184, %reduce_sum3A_185 [0] : vector<2000x256xf32> to vector<256xf32>
    %broadcast_in_dim3A_187 = vector.shape_cast %reduce_sum3A_186 : vector<256xf32> to vector<1x256xf32>
    %add3A_188 = arith.addf %add3A_141, %broadcast_in_dim3A_187 : vector<1x256xf32>
    %get3A_189 = arith.constant 8000 : index
    %get3A_190 = arith.constant 0 : index
    %get3A_191 = vector.load %arg3[%get3A_189, %get3A_190] : memref<10000x32xf32, #tpu.memory_space<vmem>>, vector<2000x32xf32>
    %reduce_sum3A_192 = arith.constant dense<0.000000e+00> : vector<2000xf32>
    %reduce_sum3A_193 = vector.multi_reduction <add>, %get3A_191, %reduce_sum3A_192 [1] : vector<2000x32xf32> to vector<2000xf32>
    %broadcast_in_dim3A_194 = vector.shape_cast %reduce_sum3A_193 : vector<2000xf32> to vector<2000x1xf32>
    %get3A_195 = arith.constant 0 : index
    %get3A_196 = arith.constant 8000 : index
    %get3A_197 = arith.constant 0 : index
    %get3A_198 = vector.load %arg2[%get3A_195, %get3A_196, %get3A_197] : memref<2x10000x128xf32, #tpu.memory_space<vmem>>, vector<1x2000x128xf32>
    %get3A_199 = vector.shape_cast %get3A_198 : vector<1x2000x128xf32> to vector<2000x128xf32>
    %get3A_200 = arith.constant 1 : index
    %get3A_201 = arith.constant 8000 : index
    %get3A_202 = arith.constant 0 : index
    %get3A_203 = vector.load %arg2[%get3A_200, %get3A_201, %get3A_202] : memref<2x10000x128xf32, #tpu.memory_space<vmem>>, vector<1x2000x128xf32>
    %get3A_204 = vector.shape_cast %get3A_203 : vector<1x2000x128xf32> to vector<2000x128xf32>
    %add3A_205 = arith.addf %get3A_199, %get3A_204 : vector<2000x128xf32>
    %max3A_206 = arith.constant 1.000000e+00 : f32
    %max3A_207 = vector.broadcast %max3A_206 : f32 to vector<2000x1xf32>
    %max3A_208 = arith.maximumf %broadcast_in_dim3A_194, %max3A_207 : vector<2000x1xf32>
    %div3A_209 = vector.broadcast %max3A_208 : vector<2000x1xf32> to vector<2000x128xf32>
    %div3A_210 = arith.divf %add3A_205, %div3A_209 : vector<2000x128xf32>
    %get3A_211 = arith.constant 8000 : index
    %get3A_212 = arith.constant 0 : index
    %get3A_213 = vector.load %arg1[%get3A_211, %get3A_212] : memref<10000x128xf32, #tpu.memory_space<vmem>>, vector<2000x128xf32>
    %dot_general3A_214 = arith.constant dense<0.000000e+00> : vector<2000x256xf32>
    %dot_general3A_215 = tpu.matmul %get3A_213, %get3A_1, %dot_general3A_214 {dimension_numbers = #tpu.dot_dimension_numbers<[1], [0], [0], [1], [0, 0, 1, 1], [], []>, precision = #tpu.contract_precision<fp32>, transpose_lhs_hint = false} : vector<2000x128xf32>, vector<128x256xf32>, vector<2000x256xf32> -> vector<2000x256xf32>
    %dot_general3A_216 = arith.constant dense<0.000000e+00> : vector<2000x256xf32>
    %dot_general3A_217 = tpu.matmul %div3A_210, %get3A_4, %dot_general3A_216 {dimension_numbers = #tpu.dot_dimension_numbers<[1], [0], [0], [1], [0, 0, 1, 1], [], []>, precision = #tpu.contract_precision<fp32>, transpose_lhs_hint = false} : vector<2000x128xf32>, vector<128x256xf32>, vector<2000x256xf32> -> vector<2000x256xf32>
    %add3A_218 = arith.addf %dot_general3A_215, %dot_general3A_217 : vector<2000x256xf32>
    %get3A_219 = arith.constant 0 : index
    %get3A_220 = arith.constant 0 : index
    %get3A_221 = vector.load %arg5[%get3A_219, %get3A_220] : memref<1x256xf32, #tpu.memory_space<vmem>>, vector<1x256xf32>
    %add3A_222 = vector.broadcast %get3A_221 : vector<1x256xf32> to vector<2000x256xf32>
    %add3A_223 = arith.addf %add3A_218, %add3A_222 : vector<2000x256xf32>
    %swap3A_224 = arith.constant 8000 : index
    %swap3A_225 = arith.constant 0 : index
    %swap3A_226 = vector.load %arg11[%swap3A_224, %swap3A_225] : memref<10000x256xf32, #tpu.memory_space<vmem>>, vector<2000x256xf32>
    tpu.vector_store %arg11[%swap3A_224, %swap3A_225], %add3A_223 {strides = array<i32>} : memref<10000x256xf32, #tpu.memory_space<vmem>>, vector<2000x256xf32>,
    %reduce_sum3A_227 = arith.constant dense<0.000000e+00> : vector<256xf32>
    %reduce_sum3A_228 = vector.multi_reduction <add>, %add3A_223, %reduce_sum3A_227 [0] : vector<2000x256xf32> to vector<256xf32>
    %broadcast_in_dim3A_229 = vector.shape_cast %reduce_sum3A_228 : vector<256xf32> to vector<1x256xf32>
    %add3A_230 = arith.addf %add3A_183, %broadcast_in_dim3A_229 : vector<1x256xf32>
    %mul3A_231 = arith.mulf %add3A_223, %add3A_223 : vector<2000x256xf32>
    %reduce_sum3A_232 = arith.constant dense<0.000000e+00> : vector<256xf32>
    %reduce_sum3A_233 = vector.multi_reduction <add>, %mul3A_231, %reduce_sum3A_232 [0] : vector<2000x256xf32> to vector<256xf32>
    %broadcast_in_dim3A_234 = vector.shape_cast %reduce_sum3A_233 : vector<256xf32> to vector<1x256xf32>
    %add3A_235 = arith.addf %add3A_188, %broadcast_in_dim3A_234 : vector<1x256xf32>
    %div3A_236 = arith.constant 1.000000e+04 : f32
    %div3A_237 = vector.broadcast %div3A_236 : f32 to vector<1x256xf32>
    %div3A_238 = arith.divf %add3A_230, %div3A_237 : vector<1x256xf32>
    %div3A_239 = arith.constant 1.000000e+04 : f32
    %div3A_240 = vector.broadcast %div3A_239 : f32 to vector<1x256xf32>
    %div3A_241 = arith.divf %add3A_235, %div3A_240 : vector<1x256xf32>
    %mul3A_242 = arith.mulf %div3A_238, %div3A_238 : vector<1x256xf32>
    %sub3A = arith.subf %div3A_241, %mul3A_242 : vector<1x256xf32>
    %add3A_243 = arith.constant 9.99999974E-6 : f32
    %add3A_244 = vector.broadcast %add3A_243 : f32 to vector<1x256xf32>
    %add3A_245 = arith.addf %sub3A, %add3A_244 : vector<1x256xf32>
    %rsqrt3A = math.rsqrt %add3A_245 : vector<1x256xf32>
    %get3A_246 = arith.constant 0 : index
    %get3A_247 = arith.constant 0 : index
    %get3A_248 = vector.load %arg6[%get3A_246, %get3A_247] : memref<1x256xf32, #tpu.memory_space<vmem>>, vector<1x256xf32>
    %mul3A_249 = arith.mulf %rsqrt3A, %get3A_248 : vector<1x256xf32>
    %get3A_250 = arith.constant 0 : index
    %get3A_251 = arith.constant 0 : index
    %get3A_252 = vector.load %arg11[%get3A_250, %get3A_251] : memref<10000x256xf32, #tpu.memory_space<vmem>>, vector<2000x256xf32>
    %sub3A_253 = vector.broadcast %div3A_238 : vector<1x256xf32> to vector<2000x256xf32>
    %sub3A_254 = arith.subf %get3A_252, %sub3A_253 : vector<2000x256xf32>
    %mul3A_255 = vector.broadcast %mul3A_249 : vector<1x256xf32> to vector<2000x256xf32>
    %mul3A_256 = arith.mulf %sub3A_254, %mul3A_255 : vector<2000x256xf32>
    %get3A_257 = arith.constant 0 : index
    %get3A_258 = arith.constant 0 : index
    %get3A_259 = vector.load %arg7[%get3A_257, %get3A_258] : memref<1x256xf32, #tpu.memory_space<vmem>>, vector<1x256xf32>
    %add3A_260 = vector.broadcast %get3A_259 : vector<1x256xf32> to vector<2000x256xf32>
    %add3A_261 = arith.addf %mul3A_256, %add3A_260 : vector<2000x256xf32>
    %max3A_262 = arith.constant 0.000000e+00 : f32
    %max3A_263 = vector.broadcast %max3A_262 : f32 to vector<2000x256xf32>
    %max3A_264 = arith.maximumf %add3A_261, %max3A_263 : vector<2000x256xf32>
    %get3A_265 = arith.constant 0 : index
    %get3A_266 = arith.constant 0 : index
    %get3A_267 = vector.load %arg8[%get3A_265, %get3A_266] : memref<256x128xf32, #tpu.memory_space<vmem>>, vector<256x128xf32>
    %dot_general3A_268 = arith.constant dense<0.000000e+00> : vector<2000x128xf32>
    %dot_general3A_269 = tpu.matmul %max3A_264, %get3A_267, %dot_general3A_268 {dimension_numbers = #tpu.dot_dimension_numbers<[1], [0], [0], [1], [0, 0, 1, 1], [], []>, precision = #tpu.contract_precision<fp32>, transpose_lhs_hint = false} : vector<2000x256xf32>, vector<256x128xf32>, vector<2000x128xf32> -> vector<2000x128xf32>
    %get3A_270 = arith.constant 0 : index
    %get3A_271 = arith.constant 0 : index
    %get3A_272 = vector.load %arg9[%get3A_270, %get3A_271] : memref<1x128xf32, #tpu.memory_space<vmem>>, vector<1x128xf32>
    %add3A_273 = vector.broadcast %get3A_272 : vector<1x128xf32> to vector<2000x128xf32>
    %add3A_274 = arith.addf %dot_general3A_269, %add3A_273 : vector<2000x128xf32>
    %max3A_275 = arith.constant 0.000000e+00 : f32
    %max3A_276 = vector.broadcast %max3A_275 : f32 to vector<2000x128xf32>
    %max3A_277 = arith.maximumf %add3A_274, %max3A_276 : vector<2000x128xf32>
    %swap3A_278 = arith.constant 0 : index
    %swap3A_279 = arith.constant 0 : index
    %swap3A_280 = vector.load %arg10[%swap3A_278, %swap3A_279] : memref<10000x128xf32, #tpu.memory_space<vmem>>, vector<2000x128xf32>
    tpu.vector_store %arg10[%swap3A_278, %swap3A_279], %max3A_277 {strides = array<i32>} : memref<10000x128xf32, #tpu.memory_space<vmem>>, vector<2000x128xf32>,
    %get3A_281 = arith.constant 2000 : index
    %get3A_282 = arith.constant 0 : index
    %get3A_283 = vector.load %arg11[%get3A_281, %get3A_282] : memref<10000x256xf32, #tpu.memory_space<vmem>>, vector<2000x256xf32>
    %sub3A_284 = vector.broadcast %div3A_238 : vector<1x256xf32> to vector<2000x256xf32>
    %sub3A_285 = arith.subf %get3A_283, %sub3A_284 : vector<2000x256xf32>
    %mul3A_286 = vector.broadcast %mul3A_249 : vector<1x256xf32> to vector<2000x256xf32>
    %mul3A_287 = arith.mulf %sub3A_285, %mul3A_286 : vector<2000x256xf32>
    %get3A_288 = arith.constant 0 : index
    %get3A_289 = arith.constant 0 : index
    %get3A_290 = vector.load %arg7[%get3A_288, %get3A_289] : memref<1x256xf32, #tpu.memory_space<vmem>>, vector<1x256xf32>
    %add3A_291 = vector.broadcast %get3A_290 : vector<1x256xf32> to vector<2000x256xf32>
    %add3A_292 = arith.addf %mul3A_287, %add3A_291 : vector<2000x256xf32>
    %max3A_293 = arith.constant 0.000000e+00 : f32
    %max3A_294 = vector.broadcast %max3A_293 : f32 to vector<2000x256xf32>
    %max3A_295 = arith.maximumf %add3A_292, %max3A_294 : vector<2000x256xf32>
    %get3A_296 = arith.constant 0 : index
    %get3A_297 = arith.constant 0 : index
    %get3A_298 = vector.load %arg8[%get3A_296, %get3A_297] : memref<256x128xf32, #tpu.memory_space<vmem>>, vector<256x128xf32>
    %dot_general3A_299 = arith.constant dense<0.000000e+00> : vector<2000x128xf32>
    %dot_general3A_300 = tpu.matmul %max3A_295, %get3A_298, %dot_general3A_299 {dimension_numbers = #tpu.dot_dimension_numbers<[1], [0], [0], [1], [0, 0, 1, 1], [], []>, precision = #tpu.contract_precision<fp32>, transpose_lhs_hint = false} : vector<2000x256xf32>, vector<256x128xf32>, vector<2000x128xf32> -> vector<2000x128xf32>
    %get3A_301 = arith.constant 0 : index
    %get3A_302 = arith.constant 0 : index
    %get3A_303 = vector.load %arg9[%get3A_301, %get3A_302] : memref<1x128xf32, #tpu.memory_space<vmem>>, vector<1x128xf32>
    %add3A_304 = vector.broadcast %get3A_303 : vector<1x128xf32> to vector<2000x128xf32>
    %add3A_305 = arith.addf %dot_general3A_300, %add3A_304 : vector<2000x128xf32>
    %max3A_306 = arith.constant 0.000000e+00 : f32
    %max3A_307 = vector.broadcast %max3A_306 : f32 to vector<2000x128xf32>
    %max3A_308 = arith.maximumf %add3A_305, %max3A_307 : vector<2000x128xf32>
    %swap3A_309 = arith.constant 2000 : index
    %swap3A_310 = arith.constant 0 : index
    %swap3A_311 = vector.load %arg10[%swap3A_309, %swap3A_310] : memref<10000x128xf32, #tpu.memory_space<vmem>>, vector<2000x128xf32>
    tpu.vector_store %arg10[%swap3A_309, %swap3A_310], %max3A_308 {strides = array<i32>} : memref<10000x128xf32, #tpu.memory_space<vmem>>, vector<2000x128xf32>,
    %get3A_312 = arith.constant 4000 : index
    %get3A_313 = arith.constant 0 : index
    %get3A_314 = vector.load %arg11[%get3A_312, %get3A_313] : memref<10000x256xf32, #tpu.memory_space<vmem>>, vector<2000x256xf32>
    %sub3A_315 = vector.broadcast %div3A_238 : vector<1x256xf32> to vector<2000x256xf32>
    %sub3A_316 = arith.subf %get3A_314, %sub3A_315 : vector<2000x256xf32>
    %mul3A_317 = vector.broadcast %mul3A_249 : vector<1x256xf32> to vector<2000x256xf32>
    %mul3A_318 = arith.mulf %sub3A_316, %mul3A_317 : vector<2000x256xf32>
    %get3A_319 = arith.constant 0 : index
    %get3A_320 = arith.constant 0 : index
    %get3A_321 = vector.load %arg7[%get3A_319, %get3A_320] : memref<1x256xf32, #tpu.memory_space<vmem>>, vector<1x256xf32>
    %add3A_322 = vector.broadcast %get3A_321 : vector<1x256xf32> to vector<2000x256xf32>
    %add3A_323 = arith.addf %mul3A_318, %add3A_322 : vector<2000x256xf32>
    %max3A_324 = arith.constant 0.000000e+00 : f32
    %max3A_325 = vector.broadcast %max3A_324 : f32 to vector<2000x256xf32>
    %max3A_326 = arith.maximumf %add3A_323, %max3A_325 : vector<2000x256xf32>
    %get3A_327 = arith.constant 0 : index
    %get3A_328 = arith.constant 0 : index
    %get3A_329 = vector.load %arg8[%get3A_327, %get3A_328] : memref<256x128xf32, #tpu.memory_space<vmem>>, vector<256x128xf32>
    %dot_general3A_330 = arith.constant dense<0.000000e+00> : vector<2000x128xf32>
    %dot_general3A_331 = tpu.matmul %max3A_326, %get3A_329, %dot_general3A_330 {dimension_numbers = #tpu.dot_dimension_numbers<[1], [0], [0], [1], [0, 0, 1, 1], [], []>, precision = #tpu.contract_precision<fp32>, transpose_lhs_hint = false} : vector<2000x256xf32>, vector<256x128xf32>, vector<2000x128xf32> -> vector<2000x128xf32>
    %get3A_332 = arith.constant 0 : index
    %get3A_333 = arith.constant 0 : index
    %get3A_334 = vector.load %arg9[%get3A_332, %get3A_333] : memref<1x128xf32, #tpu.memory_space<vmem>>, vector<1x128xf32>
    %add3A_335 = vector.broadcast %get3A_334 : vector<1x128xf32> to vector<2000x128xf32>
    %add3A_336 = arith.addf %dot_general3A_331, %add3A_335 : vector<2000x128xf32>
    %max3A_337 = arith.constant 0.000000e+00 : f32
    %max3A_338 = vector.broadcast %max3A_337 : f32 to vector<2000x128xf32>
    %max3A_339 = arith.maximumf %add3A_336, %max3A_338 : vector<2000x128xf32>
    %swap3A_340 = arith.constant 4000 : index
    %swap3A_341 = arith.constant 0 : index
    %swap3A_342 = vector.load %arg10[%swap3A_340, %swap3A_341] : memref<10000x128xf32, #tpu.memory_space<vmem>>, vector<2000x128xf32>
    tpu.vector_store %arg10[%swap3A_340, %swap3A_341], %max3A_339 {strides = array<i32>} : memref<10000x128xf32, #tpu.memory_space<vmem>>, vector<2000x128xf32>,
    %get3A_343 = arith.constant 6000 : index
    %get3A_344 = arith.constant 0 : index
    %get3A_345 = vector.load %arg11[%get3A_343, %get3A_344] : memref<10000x256xf32, #tpu.memory_space<vmem>>, vector<2000x256xf32>
    %sub3A_346 = vector.broadcast %div3A_238 : vector<1x256xf32> to vector<2000x256xf32>
    %sub3A_347 = arith.subf %get3A_345, %sub3A_346 : vector<2000x256xf32>
    %mul3A_348 = vector.broadcast %mul3A_249 : vector<1x256xf32> to vector<2000x256xf32>
    %mul3A_349 = arith.mulf %sub3A_347, %mul3A_348 : vector<2000x256xf32>
    %get3A_350 = arith.constant 0 : index
    %get3A_351 = arith.constant 0 : index
    %get3A_352 = vector.load %arg7[%get3A_350, %get3A_351] : memref<1x256xf32, #tpu.memory_space<vmem>>, vector<1x256xf32>
    %add3A_353 = vector.broadcast %get3A_352 : vector<1x256xf32> to vector<2000x256xf32>
    %add3A_354 = arith.addf %mul3A_349, %add3A_353 : vector<2000x256xf32>
    %max3A_355 = arith.constant 0.000000e+00 : f32
    %max3A_356 = vector.broadcast %max3A_355 : f32 to vector<2000x256xf32>
    %max3A_357 = arith.maximumf %add3A_354, %max3A_356 : vector<2000x256xf32>
    %get3A_358 = arith.constant 0 : index
    %get3A_359 = arith.constant 0 : index
    %get3A_360 = vector.load %arg8[%get3A_358, %get3A_359] : memref<256x128xf32, #tpu.memory_space<vmem>>, vector<256x128xf32>
    %dot_general3A_361 = arith.constant dense<0.000000e+00> : vector<2000x128xf32>
    %dot_general3A_362 = tpu.matmul %max3A_357, %get3A_360, %dot_general3A_361 {dimension_numbers = #tpu.dot_dimension_numbers<[1], [0], [0], [1], [0, 0, 1, 1], [], []>, precision = #tpu.contract_precision<fp32>, transpose_lhs_hint = false} : vector<2000x256xf32>, vector<256x128xf32>, vector<2000x128xf32> -> vector<2000x128xf32>
    %get3A_363 = arith.constant 0 : index
    %get3A_364 = arith.constant 0 : index
    %get3A_365 = vector.load %arg9[%get3A_363, %get3A_364] : memref<1x128xf32, #tpu.memory_space<vmem>>, vector<1x128xf32>
    %add3A_366 = vector.broadcast %get3A_365 : vector<1x128xf32> to vector<2000x128xf32>
    %add3A_367 = arith.addf %dot_general3A_362, %add3A_366 : vector<2000x128xf32>
    %max3A_368 = arith.constant 0.000000e+00 : f32
    %max3A_369 = vector.broadcast %max3A_368 : f32 to vector<2000x128xf32>
    %max3A_370 = arith.maximumf %add3A_367, %max3A_369 : vector<2000x128xf32>
    %swap3A_371 = arith.constant 6000 : index
    %swap3A_372 = arith.constant 0 : index
    %swap3A_373 = vector.load %arg10[%swap3A_371, %swap3A_372] : memref<10000x128xf32, #tpu.memory_space<vmem>>, vector<2000x128xf32>
    tpu.vector_store %arg10[%swap3A_371, %swap3A_372], %max3A_370 {strides = array<i32>} : memref<10000x128xf32, #tpu.memory_space<vmem>>, vector<2000x128xf32>,
    %get3A_374 = arith.constant 8000 : index
    %get3A_375 = arith.constant 0 : index
    %get3A_376 = vector.load %arg11[%get3A_374, %get3A_375] : memref<10000x256xf32, #tpu.memory_space<vmem>>, vector<2000x256xf32>
    %sub3A_377 = vector.broadcast %div3A_238 : vector<1x256xf32> to vector<2000x256xf32>
    %sub3A_378 = arith.subf %get3A_376, %sub3A_377 : vector<2000x256xf32>
    %mul3A_379 = vector.broadcast %mul3A_249 : vector<1x256xf32> to vector<2000x256xf32>
    %mul3A_380 = arith.mulf %sub3A_378, %mul3A_379 : vector<2000x256xf32>
    %get3A_381 = arith.constant 0 : index
    %get3A_382 = arith.constant 0 : index
    %get3A_383 = vector.load %arg7[%get3A_381, %get3A_382] : memref<1x256xf32, #tpu.memory_space<vmem>>, vector<1x256xf32>
    %add3A_384 = vector.broadcast %get3A_383 : vector<1x256xf32> to vector<2000x256xf32>
    %add3A_385 = arith.addf %mul3A_380, %add3A_384 : vector<2000x256xf32>
    %max3A_386 = arith.constant 0.000000e+00 : f32
    %max3A_387 = vector.broadcast %max3A_386 : f32 to vector<2000x256xf32>
    %max3A_388 = arith.maximumf %add3A_385, %max3A_387 : vector<2000x256xf32>
    %get3A_389 = arith.constant 0 : index
    %get3A_390 = arith.constant 0 : index
    %get3A_391 = vector.load %arg8[%get3A_389, %get3A_390] : memref<256x128xf32, #tpu.memory_space<vmem>>, vector<256x128xf32>
    %dot_general3A_392 = arith.constant dense<0.000000e+00> : vector<2000x128xf32>
    %dot_general3A_393 = tpu.matmul %max3A_388, %get3A_391, %dot_general3A_392 {dimension_numbers = #tpu.dot_dimension_numbers<[1], [0], [0], [1], [0, 0, 1, 1], [], []>, precision = #tpu.contract_precision<fp32>, transpose_lhs_hint = false} : vector<2000x256xf32>, vector<256x128xf32>, vector<2000x128xf32> -> vector<2000x128xf32>
    %get3A_394 = arith.constant 0 : index
    %get3A_395 = arith.constant 0 : index
    %get3A_396 = vector.load %arg9[%get3A_394, %get3A_395] : memref<1x128xf32, #tpu.memory_space<vmem>>, vector<1x128xf32>
    %add3A_397 = vector.broadcast %get3A_396 : vector<1x128xf32> to vector<2000x128xf32>
    %add3A_398 = arith.addf %dot_general3A_393, %add3A_397 : vector<2000x128xf32>
    %max3A_399 = arith.constant 0.000000e+00 : f32
    %max3A_400 = vector.broadcast %max3A_399 : f32 to vector<2000x128xf32>
    %max3A_401 = arith.maximumf %add3A_398, %max3A_400 : vector<2000x128xf32>
    %swap3A_402 = arith.constant 8000 : index
    %swap3A_403 = arith.constant 0 : index
    %swap3A_404 = vector.load %arg10[%swap3A_402, %swap3A_403] : memref<10000x128xf32, #tpu.memory_space<vmem>>, vector<2000x128xf32>
    tpu.vector_store %arg10[%swap3A_402, %swap3A_403], %max3A_401 {strides = array<i32>} : memref<10000x128xf32, #tpu.memory_space<vmem>>, vector<2000x128xf32>,
    return
  }
  func.func @transform_0(%arg0: i32) -> (i32, i32) {
    %c0_i32 = arith.constant 0 : i32
    %c0_i32_0 = arith.constant 0 : i32
    %c0_i32_1 = arith.constant 0 : i32
    return %c0_i32, %c0_i32_0 : i32, i32
  }
  func.func @transform_1(%arg0: i32) -> (i32, i32, i32) {
    %c0_i32 = arith.constant 0 : i32
    %c0_i32_0 = arith.constant 0 : i32
    %c0_i32_1 = arith.constant 0 : i32
    %c0_i32_2 = arith.constant 0 : i32
    return %c0_i32, %c0_i32_0, %c0_i32_1 : i32, i32, i32
  }
  func.func @transform_2(%arg0: i32) -> (i32, i32) {
    %c0_i32 = arith.constant 0 : i32
    %c0_i32_0 = arith.constant 0 : i32
    %c0_i32_1 = arith.constant 0 : i32
    return %c0_i32, %c0_i32_0 : i32, i32
  }
  func.func @transform_3(%arg0: i32) -> (i32, i32) {
    %c0_i32 = arith.constant 0 : i32
    %c0_i32_0 = arith.constant 0 : i32
    %c0_i32_1 = arith.constant 0 : i32
    return %c0_i32, %c0_i32_0 : i32, i32
  }
  func.func @transform_4(%arg0: i32) -> (i32, i32) {
    %c0_i32 = arith.constant 0 : i32
    %c0_i32_0 = arith.constant 0 : i32
    %c0_i32_1 = arith.constant 0 : i32
    return %c0_i32, %c0_i32_0 : i32, i32
  }
  func.func @transform_5(%arg0: i32) -> (i32, i32) {
    %c0_i32 = arith.constant 0 : i32
    %c0_i32_0 = arith.constant 0 : i32
    %c0_i32_1 = arith.constant 0 : i32
    return %c0_i32, %c0_i32_0 : i32, i32
  }
  func.func @transform_6(%arg0: i32) -> (i32, i32) {
    %c0_i32 = arith.constant 0 : i32
    %c0_i32_0 = arith.constant 0 : i32
    %c0_i32_1 = arith.constant 0 : i32
    return %c0_i32, %c0_i32_0 : i32, i32
  }
  func.func @transform_7(%arg0: i32) -> (i32, i32) {
    %c0_i32 = arith.constant 0 : i32
    %c0_i32_0 = arith.constant 0 : i32
    %c0_i32_1 = arith.constant 0 : i32
    return %c0_i32, %c0_i32_0 : i32, i32
  }
  func.func @transform_8(%arg0: i32) -> (i32, i32) {
    %c0_i32 = arith.constant 0 : i32
    %c0_i32_0 = arith.constant 0 : i32
    %c0_i32_1 = arith.constant 0 : i32
    return %c0_i32, %c0_i32_0 : i32, i32
  }
  func.func @transform_9(%arg0: i32) -> (i32, i32) {
    %c0_i32 = arith.constant 0 : i32
    %c0_i32_0 = arith.constant 0 : i32
    %c0_i32_1 = arith.constant 0 : i32
    return %c0_i32, %c0_i32_0 : i32, i32
  }
}

</mosaic_0001>

<sc_bundles>
// kernel: kernel.11.cloned.1.call-start
scs
__scs_entry_jumppad:
0x0: {  	(pc) =	sbr.rel $0x88, $3  }
0x1: {  	(tag) =	ssettag $0x0;
	lr =	simm.s32 $0x1  }
0x2: {  	[smem:$0x3F94] =	sst lr;
	_ =	strace $0xD0000000  }
0x3: {  	_ = 	snop  }
0x4: {  	_ = 	snop  }
0x5: {  	_ = 	snop  }
0x6: {  	_ = 	snop  }
0x7: {  	_ = 	snop  }
__scs_overlays_trampoline_lowered:
0x8: {  	[smem:$0x3FA3] =	sst s0  }
0x9: {  	[smem:$0x3FA4] =	sst s1  }
0xa: {  	[smem:$0x3FA5] =	sst s2  }
0xb: {  	[smem:$0x3FA6] =	sst s3  }
0xc: {  	[smem:$0x3FA7] =	sst s4  }
0xd: {  	[smem:$0x3FA8] =	sst s5  }
0xe: {  	[smem:$0x3FA9] =	sst s6  }
0xf: {  	[smem:$0x3FAA] =	sst s7  }
0x10: {  	[smem:$0x3FAB] =	sst s8  }
0x11: {  	[smem:$0x3FAC] =	sst s9;
	s0 =	simm.s32 @!p0 $0x0  }
0x12: {  	s1 =	sld [smem:$0x3F92];
	s0 =	simm.s32 @p0 $0x1  }
0x13: {  	[smem:$0x3FAD] =	sst s0;
	s0 =	simm.s32 @!p1 $0x0  }
0x14: {  	s2 =	sld [smem:$0x3F91];
	s0 =	simm.s32 @p1 $0x1  }
0x15: {  	[smem:$0x3FAE] =	sst s0;
	s0 =	simm.s32 @!p2 $0x0  }
0x16: {  	s3 =	sld [smem:$0x3FDB];
	s0 =	simm.s32 @p2 $0x1  }
0x17: {  	s4 =	simm.s32 $0x1BF5;
	[smem:$0x3FB0] =	sst s0  }
0x18: {  	s0 =	sld [smem:$0x3F93];
	_ =	swait.ge [sflag:s4], $0x0  }
0x19: {  	s7 =	sld [smem:$0x3F94]  }
0x1a: {  	s8 =	sadd.s32 $0xFFFFE003, lr  }
0x1b: {  	s9 =	sadd.s32 $0xFFFFFEF7, lr;
	s5 =	simm.s32 $0xFFFFFFFF;
	p2 =	slt.u32 s8, $0xFFFFF086  }
0x1c: {  	p1 =	slt.u32 s9, $0xF7A;
	s5 =	simm.s32 @!p2 $0x0  }
0x1d: {  	s5 =	simm.s32 @p1 $0x1;
	p0 =	seq.s32 s7, s2  }
0x1e: {  	s7 =	smul.u32 @!p0 $0xF7A, s2;
	p2 =	seq.s32 @!p0 s5, $0x0  }
0x1f: {  	s9 =	smul.u32 $0xF7A, s1;
	s8 =	simm.s32 @!p0 $0x1BF5;
	p2 =	por !p2, p0  }
0x20: {  	[sflag:s8] =	ssyncset.s32 @!p0 $0xFFFFF086;
	s6 =	sadd.s32 @!p0 s3, s7;
	s7 =	simm.s32 @!p0 $0x108  }
0x21: {  	s3 =	sadd.s32 s3, s9;
	s6 =	sadd.s32 @!p0 $0x88, s6;
	s7 =	simm.s32 @p2 $0x1082  }
0x22: {  	[simem:s7], [sflag:s8] =	dma.local @!p0 [hbm:s6], $0xF7A  }
0x23: {  	s9 =	sor.u32 $0xD0000000, s2;
	s6 =	simm.s32 $0x108;
	_ =	swait.ge @!p0 [sflag:s8], $0x0  }
0x24: {  	s3 =	sadd.s32 $0x88, s3;
	s6 =	simm.s32 @!p1 $0x1082;
	[sflag:s4] =	ssyncset.s32 $0xFFFFF086  }
0x25: {  	[simem:s6], [sflag:s4] =	dma.local [hbm:s3], $0xF7A  }
0x26: {  	[smem:$0x3F94] =	sst s1;
	(tag) =	ssettag s2;
	_ =	strace s9  }
0x27: {  	s1 =	sld [smem:$0x3FA4]  }
0x28: {  	s2 =	sld [smem:$0x3FA5]  }
0x29: {  	s4 =	sld [smem:$0x3FA7]  }
0x2a: {  	p0 =	seq.s32 s5, $0x0;
	s5 =	sld [smem:$0x3FA8]  }
0x2b: {  	s6 =	sld [smem:$0x3FA9]  }
0x2c: {  	s7 =	sld [smem:$0x3FAA]  }
0x2d: {  	s3 =	simm.s32 $0x108;
	s8 =	sld [smem:$0x3FAB]  }
0x2e: {  	s3 =	simm.s32 @!p0 $0x1082;
	s9 =	sld [smem:$0x3FAC]  }
0x2f: {  	lr =	sadd.s32 s0, s3;
	s0 =	sld [smem:$0x3FA3]  }
0x30: {  	s3 =	sld [smem:$0x3FA6]  }
0x31: {  	[smem:$0x3FAF] =	sst s10  }
0x32: {  	s10 =	sld [smem:$0x3FAD];
	_ =	sdelay $0x3  }
0x33: {  	p0 =	seq.s32 s10, $0x1;
	s10 =	sld [smem:$0x3FAF];
	_ =	sdelay $0x3  }
0x34: {  	[smem:$0x3FAF] =	sst s10  }
0x35: {  	s10 =	sld [smem:$0x3FAE];
	_ =	sdelay $0x3  }
0x36: {  	p1 =	seq.s32 s10, $0x1;
	s10 =	sld [smem:$0x3FAF];
	_ =	sdelay $0x3  }
0x37: {  	[smem:$0x3FAF] =	sst s10  }
0x38: {  	s10 =	sld [smem:$0x3FB0]  }
0x39: {  	_ = 	snop;
	(pc) =	sbr.ind lr, $3  }
0x3a: {  	_ = 	snop  }
0x3b: {  	_ = 	snop  }
0x3c: {  	p2 =	seq.s32 s10, $0x1;
	s10 =	sld [smem:$0x3FAF]  }
0x3d: {  	_ =	shalt  }
0x3e: {  	_ =	shalt  }
0x3f: {  	_ =	shalt  }
0x40: {  	_ =	shalt  }
0x41: {  	_ =	shalt  }
0x42: {  	_ =	shalt  }
0x43: {  	_ =	shalt  }
0x44: {  	_ =	shalt  }
0x45: {  	_ =	shalt  }
0x46: {  	_ =	shalt  }
0x47: {  	_ =	shalt  }
0x48: {  	_ =	shalt  }
0x49: {  	_ =	shalt  }
0x4a: {  	_ =	shalt  }
0x4b: {  	_ =	shalt  }
0x4c: {  	_ =	shalt  }
0x4d: {  	_ =	shalt  }
0x4e: {  	_ =	shalt  }
0x4f: {  	_ =	shalt  }
0x50: {  	_ =	shalt  }
0x51: {  	_ =	shalt  }
0x52: {  	_ =	shalt  }
0x53: {  	_ =	shalt  }
0x54: {  	_ =	shalt  }
0x55: {  	_ =	shalt  }
0x56: {  	_ =	shalt  }
0x57: {  	_ =	shalt  }
0x58: {  	_ =	shalt  }
0x59: {  	_ =	shalt  }
0x5a: {  	_ =	shalt  }
0x5b: {  	_ =	shalt  }
0x5c: {  	_ =	shalt  }
0x5d: {  	_ =	shalt  }
0x5e: {  	_ =	shalt  }
0x5f: {  	_ =	shalt  }
0x60: {  	_ =	shalt  }
0x61: {  	_ =	shalt  }
0x62: {  	_ =	shalt  }
0x63: {  	_ =	shalt  }
0x64: {  	_ =	shalt  }
0x65: {  	_ =	shalt  }
0x66: {  	_ =	shalt  }
0x67: {  	_ =	shalt  }
0x68: {  	_ =	shalt  }
0x69: {  	_ =	shalt  }
0x6a: {  	_ =	shalt  }
0x6b: {  	_ =	shalt  }
0x6c: {  	_ =	shalt  }
0x6d: {  	_ =	shalt  }
0x6e: {  	_ =	shalt  }
0x6f: {  	_ =	shalt  }
0x70: {  	_ =	shalt  }
0x71: {  	_ =	shalt  }
0x72: {  	_ =	shalt  }
0x73: {  	_ =	shalt  }
0x74: {  	_ =	shalt  }
0x75: {  	_ =	shalt  }
0x76: {  	_ =	shalt  }
0x77: {  	_ =	shalt  }
0x78: {  	_ =	shalt  }
0x79: {  	_ =	shalt  }
0x7a: {  	_ =	shalt  }
0x7b: {  	_ =	shalt  }
0x7c: {  	_ =	shalt  }
0x7d: {  	_ =	shalt  }
0x7e: {  	_ =	shalt  }
0x7f: {  	_ =	shalt  }
0x80: {  	_ =	shalt  }
0x81: {  	_ =	shalt  }
0x82: {  	_ =	shalt  }
0x83: {  	_ =	shalt  }
0x84: {  	_ =	shalt  }
0x85: {  	_ =	shalt  }
0x86: {  	_ =	shalt  }
0x87: {  	_ =	shalt  }
.Lfunc_end0:
.L_simem_size_0:
called_computation.1_lowered:
.L_overlay_start_0:
0x88: {  	s2 =	sld [smem:$0x3FD9]  }
0x89: {  	s3 =	sld [smem:$0x3FFE];
	_ =	sdelay $0x1  }
0x8a: {  	s1 =	srdreg.scid  }
0x8b: {  	s0 =	sand.u32 $0x1, s1  }
0x8c: {  	s17 =	sshll.u32 s0, $0xA;
	s2 =	sadd.s32 s3, s2  }
0x8d: {  	s2 =	sadd.s32 s2, s17  }
0x8e: {  	[smem:$0x3FBB] =	sst s2  }
0x8f: {  	_ = 	snop  }
0x90: {  	s2 =	sld [smem:$0x3FD0];
	(tm) =	ssettm $0x1  }
0x91: {  	s18 =	sld [smem:$0x3FFB];
	_ =	sdelay $0x3  }
0x92: {  	_ =	strace s18  }
0x93: {  	s3 =	sld [smem:$0x3FFC];
	_ =	sdelay $0x3  }
0x94: {  	_ =	strace s3  }
0x95: {  	s3 =	sld [smem:$0x3FFD];
	_ =	sdelay $0x3  }
0x96: {  	_ =	strace s3  }
0x97: {  	_ =	strace $0x8FFFFFFF  }
0x98: {  	s19 =	sld [smem:$0x3FDB];
	_ =	sdelay $0x1  }
0x99: {  	s4 =	simm.s32 $_scs_section_size  }
0x9a: {  	s5 =	simm.s32 $_size__tile_overlayer_lowered;
	s6 =	simm.s32 $_tile_overlayer_lowered  }
0x9b: {  	s22 =	simm.s32 $0x1BFF;
	s21 =	sshll.u32 s6, $0x1;
	s3 =	sadd.s32 s4, s19  }
0x9c: {  	s7 =	simm.s32 $0x0;
	s20 =	sshll.u32 s5, $0x1;
	s5 =	sadd.s32 s21, s3  }
0x9d: {  	[timem:s7], [sflag:s22] =	dma.local [hbm:s5], s20  }
0x9e: {  	_ =	swait.ge [sflag:s22], s20  }
0x9f: {  	s4 =	ssub.s32 $0x0, s20;
	[sflag:s22] =	ssyncset.done $0x0  }
0xa0: {  	[sflag:s22] =	ssyncadd.s32 s4;
	_ =	sdelay $0x1  }
0xa1: {  	s23 =	simm.s32 $0x1B8B  }
0xa2: {  	_ =	swait.ge [sflag:s23], $0x1  }
0xa3: {  	[sflag:s23] =	ssyncset.done $0x0  }
0xa4: {  	s25 =	simm.s32 $0x1B8E;
	s24 =	sld [smem:$0x3FFE];
	[sflag:s23] =	ssyncadd.s32 $0xFFFFFFFF  }
0xa5: {  	s26 =	simm.s32 $execute0_lowered;
	[smem:$0x3FD2] =	sst s25  }
0xa6: {  	s5 =	sshll.u32 s26, $0x1;
	_ =	strace $0x80000049;
	[dreg:$0x1] =	wrdreg $0xFFFFFFFF  }
0xa7: {  	s28 =	simm.s32 $_size_execute0_lowered;
	s3 =	sadd.s32 s3, s5;
	[dreg:$0x0] =	wrdreg $0x0  }
0xa8: {  	s5 =	sshll.u32 s28, $0x1;
	[dreg:$0x2] =	wrdreg s3  }
0xa9: {  	[dreg:$0x3] =	wrdreg s5  }
0xaa: {  	[dreg:$0x4] =	wrdreg $0xC0  }
0xab: {  	_ =	task [dreg:s7], $0x5FFFF  }
0xac: {  	[dreg:$0x1] =	wrdreg $0xFFFFFFFF  }
0xad: {  	[dreg:$0x0] =	wrdreg $0x60  }
0xae: {  	[dreg:$0x2] =	wrdreg s24  }
0xaf: {  	[dreg:$0x3] =	wrdreg s2  }
0xb0: {  	[dreg:$0x4] =	wrdreg $0x81000  }
0xb1: {  	[dreg:$0x5] =	wrdreg $0x9  }
0xb2: {  	_ =	task.clear_ibuf [dreg:s7], $0x6FFFF;
	_ =	strace $0x90000049  }
0xb3: {  	s29 =	simm.s32 $0x9;
	_ =	strace $0x8000004B  }
0xb4: {  	_ =	swait.ge [sflag:s29], $0x1  }
0xb5: {  	[sflag:s29] =	ssyncadd.s32 $0xFFFFFFFF  }
0xb6: {  	_ =	strace $0x9000004B  }
0xb7: {  	_ =	sfence  }
0xb8: {  	s30 =	sld [smem:$0x0];
	_ =	sdelay $0x2  }
0xb9: {  	s31 =	sshll.u32 s1, $0xD;
	s1 =	sshrl.u32 s1, $0x2  }
0xba: {  	s3 =	sand.u32 $0x4000, s31;
	s1 =	sadd.s32 s1, s30  }
0xbb: {  	s0 =	sor.u32 s3, s0;
	s1 =	sshll.u32 s1, $0x11  }
0xbc: {  	s0 =	sor.u32 s1, s0  }
0xbd: {  	s0 =	sadd.s32 $0x8F2B, s0  }
0xbe: {  	[sflag:s0] =	ssyncadd.remote.s32 $0x1  }
0xbf: {  	_ =	sfence.sel $0xFFFF  }
0xc0: {  	[dreg:$0x0] =	wrdreg $0xFFFFFFFF;
	(pc) =	sbr.abs _section_cstart, $3  }
0xc1: {  	[dreg:$0x1] =	wrdreg $0xFFFFFFFF  }
0xc2: {  	_ =	task.clear_ibuf [dreg:s7], $0x2FFFF;
	_ =	strace $0x9FFFFFFF  }
0xc3: {  	(tm) =	ssettm $0x7FFFFFFF  }
tec
execute0_lowered:
.L_overlay_start_1:
0x0: {  	(tag) =	ssettag $0x1  }
0x1: {  	s8 =	rddreg [dreg:$0x0]  }
0x2: {  	s2 =	rddreg [dreg:$0x1]  }
0x3: {  	s3 =	rddreg [dreg:$0x2]  }
0x4: {  	s0 =	rddreg [dreg:$0x3]  }
0x5: {  	s1 =	stileid.u32;
	s5 =	srdreg.scid  }
0x6: {  	s4 =	simm.s32 $0x0;
	s17 =	simm.s32 $0x1;
	s18 =	simm.s32 $0x100  }
0x7: {  	s19 =	simm.s32 $0x2;
	s24 =	simm.s32 $0x0;
	s9 =	smul.u32 $0x14000, s1  }
0x8: {  	s10 =	sand.u32 $0x1, s5;
	[smem:$0x7FF] =	sst s4;
	s5 =	sadd.s32 $0x2E00, s8  }
0x9: {  	s6 =	sadd.s32 $0xCE00, s8;
	s7 =	sadd.s32 $0x599400, s8;
	s15 =	smul.u32 $0x50000, s1  }
0xa: {  	s14 =	sshll.u32 s1, $0x1;
	s30 =	sshll.u32 s1, $0x6;
	s11 =	smul.u32 $0x140000, s10  }
0xb: {  	_ =	strace $0x8000004A;
	s26 =	ssub.s32 $0x2, s10;
	s28 =	sor.u32 s10, s14  }
0xc: {  	s10 =	sor.u32 $0x1C03, s30;
	s14 =	simm.s32 $0x3;
	s12 =	sshrl.u32 s9, $0x3  }
0xd: {  	s13 =	sshrl.u32 s26, $0x1;
	s29 =	sshrl.u32 s15, $0x2;
	s15 =	simm.s32 $0x80  }
0xe: {  	s9 =	sadd.s32 s9, s11;
	s25 =	sadd.s32 s12, s8;
	s12 =	ssub.s32 s26, s13  }
0xf: {  	s31 =	sadd.s32 s29, s3;
	s9 =	sshrl.u32 s9, $0x3;
	s12 =	smax.u32 s12, $0x1  }
0x10: {  	s13 =	sshrl.u32 s31, $0x3;
	s16 =	sadd.s32 s9, s8;
	s8 =	smul.u32 $0x2800, s28  }
0x11: {  	s9 =	sadd.s32 $0x34E00, s25;
	s11 =	sadd.s32 $0x99400, s16;
	s16 =	simm.s32 $0x4100  }
.LBB2_1:
0x12: {  	[spmem:s13], [sflag:s10] =	dma.local [hbm:s9], $0x2800  }
0x13: {  	_ =	swait.ge [sflag:s14], $0x2800  }
0x14: {  	[sflag:s14] =	ssyncset.done $0x0  }
0x15: {  	[sflag:s14] =	ssyncadd.s32 $0xFFFFD800  }
0x16: {  	s20 =	simm.s32 $0x0;
	[bflag:$0x0] =	sbarrier.arrive $0xFFFF  }
.LBB2_2:
0x17: {  	s21 =	sshll.u32 s20, $0x7  }
0x18: {  	s21 =	sadd.s32 s8, s21  }
0x19: {  	s22 =	sshrl.u32 s21, $0x3  }
0x1a: {  	s23 =	sadd.s32 s5, s22  }
0x1b: {  	[tilespmem:s24], [sflag:$0x1] =	stream.linear.gather [hbm4b:s23+s24], $0x80, $0x38;
	[tilespmem:$0x1C100] =	vst v63  }
0x1c: {  	s21 =	sshll.u32 s21, $0x4;
	s22 =	sadd.s32 s2, s22  }
0x1d: {  	[tilespmem:s15], [sflag:$0x1] =	stream.linear.gather [hbm4b:s22+s24], $0x80, $0x38;
	[tilespmem:$0x1C100] =	vst v63  }
0x1e: {  	s21 =	sadd.s32 s7, s21  }
0x1f: {  	[tilespmem:s16], [sflag:$0x1] =	stream.linear.gather [hbm4b:s21+s24], $0x4000, $0x38;
	[tilespmem:$0x1C100] =	vst v63  }
0x20: {  	_ =	swait.ge [sflag:s17], $0x80  }
0x21: {  	[sflag:s17] =	ssyncset.done $0x0  }
0x22: {  	[sflag:s17] =	ssyncadd.s32 $0xFFFFFF80  }
0x23: {  	[tilespmem:s18], [sflag:$0x2] =	stream.indirect.gather [hbm4b:s6+s15], $0x80, s24, s15, $0xb8;
	[tilespmem:$0x1C100] =	vst v63  }
0x24: {  	_ =	swait.ge [sflag:s17], $0x80  }
0x25: {  	[sflag:s17] =	ssyncset.done $0x0  }
0x26: {  	[sflag:s17] =	ssyncadd.s32 $0xFFFFFF80  }
0x27: {  	_ =	swait.ge [sflag:s17], $0x4000  }
0x28: {  	[sflag:s17] =	ssyncset.done $0x0  }
0x29: {  	[sflag:s17] =	ssyncadd.s32 $0xFFFFC000  }
0x2a: {  	_ =	swait.ge [sflag:s19], $0x4000  }
0x2b: {  	[sflag:s19] =	ssyncset.done $0x0  }
0x2c: {  	s21 =	simm.s32 $0x0;
	[sflag:s19] =	ssyncadd.s32 $0xFFFFC000  }
0x2d: {  	v6 =	vld [tilespmem:s21+$0x4100]  }
0x2e: {  	v11 =	vld [tilespmem:s21+$0x4110]  }
0x2f: {  	v5 =	vld [tilespmem:s21+$0x4120]  }
0x30: {  	v4 =	vld [tilespmem:s21+$0x4130]  }
0x31: {  	v3 =	vld [tilespmem:s21+$0x4140]  }
0x32: {  	v2 =	vld [tilespmem:s21+$0x4150]  }
0x33: {  	v1 =	vld [tilespmem:s21+$0x4160]  }
0x34: {  	v0 =	vld [tilespmem:s21+$0x4170]  }
0x35: {  	v12 =	vld [tilespmem:s21+$0x100]  }
0x36: {  	v13 =	vld [tilespmem:s21+$0x110]  }
0x37: {  	v10 =	vld [tilespmem:s21+$0x120]  }
0x38: {  	v9 =	vld [tilespmem:s21+$0x130]  }
0x39: {  	v8 =	vld [tilespmem:s21+$0x140]  }
0x3a: {  	v7 =	vld [tilespmem:s21+$0x150];
	v12 =	vadd.f32 v6, v12  }
0x3b: {  	s22 =	simm.s32 $0x200;
	v11 =	vadd.f32 v11, v13;
	v6 =	vld [tilespmem:s21+$0x160]  }
.LBB2_3:
0x3c: {  	s23 =	sshra.s32 s22, $0x2;
	p0 =	sne.s32 s22, $0xFE00;
	v12 =	vmax.f32 v12, $0.0e+00;
	v5 =	vadd.f32 v5, v10;
	v10 =	vld [tilespmem:s21+$0x170]  }
0x3d: {  	v13 =	vld [tilespmem:s23+$0x4100];
	[tilespmem:s21+$0x100] =	vst v12;
	v11 =	vmax.f32 v11, $0.0e+00;
	v4 =	vadd.f32 v4, v9  }
0x3e: {  	v14 =	vld [tilespmem:s23+$0x4110];
	[tilespmem:s21+$0x110] =	vst v11;
	v9 =	vmax.f32 v5, $0.0e+00;
	v3 =	vadd.f32 v3, v8  }
0x3f: {  	v5 =	vld [tilespmem:s23+$0x4120];
	[tilespmem:s21+$0x120] =	vst v9;
	v8 =	vmax.f32 v4, $0.0e+00;
	v2 =	vadd.f32 v2, v7  }
0x40: {  	v4 =	vld [tilespmem:s23+$0x4130];
	[tilespmem:s21+$0x130] =	vst v8;
	v7 =	vmax.f32 v3, $0.0e+00;
	v1 =	vadd.f32 v1, v6  }
0x41: {  	v3 =	vld [tilespmem:s23+$0x4140];
	[tilespmem:s21+$0x140] =	vst v7;
	v6 =	vmax.f32 v2, $0.0e+00;
	v0 =	vadd.f32 v0, v10  }
0x42: {  	v2 =	vld [tilespmem:s23+$0x4150];
	[tilespmem:s21+$0x150] =	vst v6;
	v6 =	vmax.f32 v1, $0.0e+00  }
0x43: {  	v1 =	vld [tilespmem:s23+$0x4160];
	[tilespmem:s21+$0x160] =	vst v6;
	v6 =	vmax.f32 v0, $0.0e+00  }
0x44: {  	v0 =	vld [tilespmem:s23+$0x4170];
	[tilespmem:s21+$0x170] =	vst v6;
	s21 =	smov.u32 s23  }
0x45: {  	v6 =	vld [tilespmem:s21+$0x100]  }
0x46: {  	v11 =	vld [tilespmem:s21+$0x110]  }
.Ltmp0:
0x47: {  	v10 =	vld [tilespmem:s21+$0x120];
	(pc) =	sbr.rel @p0 .LBB2_3-.Ltmp0, $4  }
0x48: {  	v9 =	vld [tilespmem:s21+$0x130]  }
0x49: {  	v8 =	vld [tilespmem:s21+$0x140]  }
0x4a: {  	v12 =	vadd.f32 v13, v6;
	v7 =	vld [tilespmem:s21+$0x150]  }
0x4b: {  	s22 =	sadd.s32 $0x200, s22;
	v11 =	vadd.f32 v14, v11;
	v6 =	vld [tilespmem:s21+$0x160]  }
0x4c: {  	v12 =	vmax.f32 v12, $0.0e+00;
	v5 =	vadd.f32 v5, v10;
	v63 =	vld [tilespmem:s21+$0x170]  }
0x4d: {  	[tilespmem:s21+$0x100] =	vst v12;
	v11 =	vmax.f32 v11, $0.0e+00;
	v4 =	vadd.f32 v4, v9  }
0x4e: {  	[tilespmem:s21+$0x110] =	vst v11;
	v5 =	vmax.f32 v5, $0.0e+00;
	v3 =	vadd.f32 v3, v8  }
0x4f: {  	[tilespmem:s21+$0x120] =	vst v5;
	v4 =	vmax.f32 v4, $0.0e+00;
	v2 =	vadd.f32 v2, v7  }
0x50: {  	[tilespmem:s21+$0x130] =	vst v4;
	v3 =	vmax.f32 v3, $0.0e+00;
	v1 =	vadd.f32 v1, v6  }
0x51: {  	[tilespmem:s21+$0x140] =	vst v3;
	v2 =	vmax.f32 v2, $0.0e+00;
	v0 =	vadd.f32 v0, v63  }
0x52: {  	s20 =	sadd.s32 $0x1, s20;
	[tilespmem:s21+$0x150] =	vst v2;
	v1 =	vmax.f32 v1, $0.0e+00  }
0x53: {  	p0 =	sne.s32 s20, $0x50;
	[tilespmem:s21+$0x160] =	vst v1;
	v0 =	vmax.f32 v0, $0.0e+00  }
.Ltmp1:
0x54: {  	[tilespmem:s21+$0x170] =	vst v0;
	(pc) =	sbr.rel @p0 .LBB2_2-.Ltmp1, $4  }
0x55: {  	[spmem:s3] =	stream.indirect.scatter.add.f32 [tilespmem:s18], [sflag:$0x3], $0x80, s15, s15, $0xb8;
	[tilespmem:$0x1C100] =	vst v63  }
0x56: {  	_ =	swait.ge [sflag:s14], $0x4000  }
0x57: {  	[sflag:s14] =	ssyncset.done $0x0  }
0x58: {  	[sflag:s14] =	ssyncadd.s32 $0xFFFFC000  }
0x59: {  	s4 =	sadd.s32 $0x1, s4  }
0x5a: {  	p0 =	sne.s32 s4, s12  }
.Ltmp2:
0x5b: {  	[bflag:$0x0] =	sbarrier.arrive $0xFFFF;
	(pc) =	sbr.rel @p0 .LBB2_1-.Ltmp2, $4  }
0x5c: {  	[hbm:s11], [sflag:s10] =	dma.local [spmem:s13], $0x2800  }
0x5d: {  	_ =	swait.ge [sflag:s14], $0x2800  }
0x5e: {  	[sflag:s14] =	ssyncset.done $0x0  }
0x5f: {  	[sflag:s14] =	ssyncadd.s32 $0xFFFFD800  }
0x60: {  	_ =	sfence.sel $0x180000  }
0x61: {  	[bflag:$0x0] =	sbarrier.arrive $0xFFFF  }
0x62: {  	p0 =	sne.s32 s1, $0x0;
	_ =	strace $0x9000004A  }
0x63: {  	s0 =	sadd.s32 @!p0 $0x100000, s0;
	[bflag:$0x2] =	sbarrier.arrive $0xFFFF  }
0x64: {  	[sflag:s0] =	ssyncadd.tile.s32 @!p0 $0x1;
	_ =	shalt  }
.Lfunc_end2:
_tile_overlayer_lowered:
.L_overlay_start_2:
0x65: {  	(tag) =	ssettag $0x2  }
0x66: {  	s0 =	rddreg [dreg:$0x0];
	s2 =	stileid.u32  }
0x67: {  	s1 =	rddreg [dreg:$0x1];
	p0 =	sne.s32 s2, $0x0  }
0x68: {  	s3 =	rddreg [dreg:$0x2];
	[bflag:$0x3] =	sbarrier.arrive $0xFFFF;
	s2 =	simm.s32 @!p0 $0x1C03  }
0x69: {  	[timem:s3], [sflag:s2] =	dma.local @!p0 [hbm:s0], s1  }
0x6a: {  	s0 =	simm.s32 @!p0 $0x3  }
0x6b: {  	_ =	swait.ge @!p0 [sflag:s0], s1  }
0x6c: {  	s1 =	ssub.s32 @!p0 $0x0, s1;
	[sflag:s0] =	ssyncset.done @!p0 $0x0  }
0x6d: {  	[sflag:s0] =	ssyncadd.s32 @!p0 s1  }
0x6e: {  	[bflag:$0x3] =	sbarrier.arrive $0xFFFF  }
0x6f: {  	_ =	shalt  }

// kernel: kernel.8.cloned.1.call-start
scs
__scs_entry_jumppad:
0x0: {  	(pc) =	sbr.rel $0x88, $3  }
0x1: {  	(tag) =	ssettag $0x0;
	lr =	simm.s32 $0x1  }
0x2: {  	[smem:$0x3F94] =	sst lr;
	_ =	strace $0xD0000000  }
0x3: {  	_ = 	snop  }
0x4: {  	_ = 	snop  }
0x5: {  	_ = 	snop  }
0x6: {  	_ = 	snop  }
0x7: {  	_ = 	snop  }
__scs_overlays_trampoline_lowered:
0x8: {  	[smem:$0x3FA3] =	sst s0  }
0x9: {  	[smem:$0x3FA4] =	sst s1  }
0xa: {  	[smem:$0x3FA5] =	sst s2  }
0xb: {  	[smem:$0x3FA6] =	sst s3  }
0xc: {  	[smem:$0x3FA7] =	sst s4  }
0xd: {  	[smem:$0x3FA8] =	sst s5  }
0xe: {  	[smem:$0x3FA9] =	sst s6  }
0xf: {  	[smem:$0x3FAA] =	sst s7  }
0x10: {  	[smem:$0x3FAB] =	sst s8  }
0x11: {  	[smem:$0x3FAC] =	sst s9;
	s0 =	simm.s32 @!p0 $0x0  }
0x12: {  	s1 =	sld [smem:$0x3F92];
	s0 =	simm.s32 @p0 $0x1  }
0x13: {  	[smem:$0x3FAD] =	sst s0;
	s0 =	simm.s32 @!p1 $0x0  }
0x14: {  	s2 =	sld [smem:$0x3F91];
	s0 =	simm.s32 @p1 $0x1  }
0x15: {  	[smem:$0x3FAE] =	sst s0;
	s0 =	simm.s32 @!p2 $0x0  }
0x16: {  	s3 =	sld [smem:$0x3FDB];
	s0 =	simm.s32 @p2 $0x1  }
0x17: {  	s4 =	simm.s32 $0x1BF5;
	[smem:$0x3FB0] =	sst s0  }
0x18: {  	s0 =	sld [smem:$0x3F93];
	_ =	swait.ge [sflag:s4], $0x0  }
0x19: {  	s7 =	sld [smem:$0x3F94]  }
0x1a: {  	s8 =	sadd.s32 $0xFFFFE003, lr  }
0x1b: {  	s9 =	sadd.s32 $0xFFFFFEF7, lr;
	s5 =	simm.s32 $0xFFFFFFFF;
	p2 =	slt.u32 s8, $0xFFFFF086  }
0x1c: {  	p1 =	slt.u32 s9, $0xF7A;
	s5 =	simm.s32 @!p2 $0x0  }
0x1d: {  	s5 =	simm.s32 @p1 $0x1;
	p0 =	seq.s32 s7, s2  }
0x1e: {  	s7 =	smul.u32 @!p0 $0xF7A, s2;
	p2 =	seq.s32 @!p0 s5, $0x0  }
0x1f: {  	s9 =	smul.u32 $0xF7A, s1;
	s8 =	simm.s32 @!p0 $0x1BF5;
	p2 =	por !p2, p0  }
0x20: {  	[sflag:s8] =	ssyncset.s32 @!p0 $0xFFFFF086;
	s6 =	sadd.s32 @!p0 s3, s7;
	s7 =	simm.s32 @!p0 $0x108  }
0x21: {  	s3 =	sadd.s32 s3, s9;
	s6 =	sadd.s32 @!p0 $0x88, s6;
	s7 =	simm.s32 @p2 $0x1082  }
0x22: {  	[simem:s7], [sflag:s8] =	dma.local @!p0 [hbm:s6], $0xF7A  }
0x23: {  	s9 =	sor.u32 $0xD0000000, s2;
	s6 =	simm.s32 $0x108;
	_ =	swait.ge @!p0 [sflag:s8], $0x0  }
0x24: {  	s3 =	sadd.s32 $0x88, s3;
	s6 =	simm.s32 @!p1 $0x1082;
	[sflag:s4] =	ssyncset.s32 $0xFFFFF086  }
0x25: {  	[simem:s6], [sflag:s4] =	dma.local [hbm:s3], $0xF7A  }
0x26: {  	[smem:$0x3F94] =	sst s1;
	(tag) =	ssettag s2;
	_ =	strace s9  }
0x27: {  	s1 =	sld [smem:$0x3FA4]  }
0x28: {  	s2 =	sld [smem:$0x3FA5]  }
0x29: {  	s4 =	sld [smem:$0x3FA7]  }
0x2a: {  	p0 =	seq.s32 s5, $0x0;
	s5 =	sld [smem:$0x3FA8]  }
0x2b: {  	s6 =	sld [smem:$0x3FA9]  }
0x2c: {  	s7 =	sld [smem:$0x3FAA]  }
0x2d: {  	s3 =	simm.s32 $0x108;
	s8 =	sld [smem:$0x3FAB]  }
0x2e: {  	s3 =	simm.s32 @!p0 $0x1082;
	s9 =	sld [smem:$0x3FAC]  }
0x2f: {  	lr =	sadd.s32 s0, s3;
	s0 =	sld [smem:$0x3FA3]  }
0x30: {  	s3 =	sld [smem:$0x3FA6]  }
0x31: {  	[smem:$0x3FAF] =	sst s10  }
0x32: {  	s10 =	sld [smem:$0x3FAD];
	_ =	sdelay $0x3  }
0x33: {  	p0 =	seq.s32 s10, $0x1;
	s10 =	sld [smem:$0x3FAF];
	_ =	sdelay $0x3  }
0x34: {  	[smem:$0x3FAF] =	sst s10  }
0x35: {  	s10 =	sld [smem:$0x3FAE];
	_ =	sdelay $0x3  }
0x36: {  	p1 =	seq.s32 s10, $0x1;
	s10 =	sld [smem:$0x3FAF];
	_ =	sdelay $0x3  }
0x37: {  	[smem:$0x3FAF] =	sst s10  }
0x38: {  	s10 =	sld [smem:$0x3FB0]  }
0x39: {  	_ = 	snop;
	(pc) =	sbr.ind lr, $3  }
0x3a: {  	_ = 	snop  }
0x3b: {  	_ = 	snop  }
0x3c: {  	p2 =	seq.s32 s10, $0x1;
	s10 =	sld [smem:$0x3FAF]  }
0x3d: {  	_ =	shalt  }
0x3e: {  	_ =	shalt  }
0x3f: {  	_ =	shalt  }
0x40: {  	_ =	shalt  }
0x41: {  	_ =	shalt  }
0x42: {  	_ =	shalt  }
0x43: {  	_ =	shalt  }
0x44: {  	_ =	shalt  }
0x45: {  	_ =	shalt  }
0x46: {  	_ =	shalt  }
0x47: {  	_ =	shalt  }
0x48: {  	_ =	shalt  }
0x49: {  	_ =	shalt  }
0x4a: {  	_ =	shalt  }
0x4b: {  	_ =	shalt  }
0x4c: {  	_ =	shalt  }
0x4d: {  	_ =	shalt  }
0x4e: {  	_ =	shalt  }
0x4f: {  	_ =	shalt  }
0x50: {  	_ =	shalt  }
0x51: {  	_ =	shalt  }
0x52: {  	_ =	shalt  }
0x53: {  	_ =	shalt  }
0x54: {  	_ =	shalt  }
0x55: {  	_ =	shalt  }
0x56: {  	_ =	shalt  }
0x57: {  	_ =	shalt  }
0x58: {  	_ =	shalt  }
0x59: {  	_ =	shalt  }
0x5a: {  	_ =	shalt  }
0x5b: {  	_ =	shalt  }
0x5c: {  	_ =	shalt  }
0x5d: {  	_ =	shalt  }
0x5e: {  	_ =	shalt  }
0x5f: {  	_ =	shalt  }
0x60: {  	_ =	shalt  }
0x61: {  	_ =	shalt  }
0x62: {  	_ =	shalt  }
0x63: {  	_ =	shalt  }
0x64: {  	_ =	shalt  }
0x65: {  	_ =	shalt  }
0x66: {  	_ =	shalt  }
0x67: {  	_ =	shalt  }
0x68: {  	_ =	shalt  }
0x69: {  	_ =	shalt  }
0x6a: {  	_ =	shalt  }
0x6b: {  	_ =	shalt  }
0x6c: {  	_ =	shalt  }
0x6d: {  	_ =	shalt  }
0x6e: {  	_ =	shalt  }
0x6f: {  	_ =	shalt  }
0x70: {  	_ =	shalt  }
0x71: {  	_ =	shalt  }
0x72: {  	_ =	shalt  }
0x73: {  	_ =	shalt  }
0x74: {  	_ =	shalt  }
0x75: {  	_ =	shalt  }
0x76: {  	_ =	shalt  }
0x77: {  	_ =	shalt  }
0x78: {  	_ =	shalt  }
0x79: {  	_ =	shalt  }
0x7a: {  	_ =	shalt  }
0x7b: {  	_ =	shalt  }
0x7c: {  	_ =	shalt  }
0x7d: {  	_ =	shalt  }
0x7e: {  	_ =	shalt  }
0x7f: {  	_ =	shalt  }
0x80: {  	_ =	shalt  }
0x81: {  	_ =	shalt  }
0x82: {  	_ =	shalt  }
0x83: {  	_ =	shalt  }
0x84: {  	_ =	shalt  }
0x85: {  	_ =	shalt  }
0x86: {  	_ =	shalt  }
0x87: {  	_ =	shalt  }
.Lfunc_end0:
.L_simem_size_0:
called_computation_lowered:
.L_overlay_start_0:
0x88: {  	s2 =	sld [smem:$0x3FD9]  }
0x89: {  	s3 =	sld [smem:$0x3FFE];
	_ =	sdelay $0x1  }
0x8a: {  	s1 =	srdreg.scid  }
0x8b: {  	s0 =	sand.u32 $0x1, s1  }
0x8c: {  	s17 =	sshll.u32 s0, $0xA;
	s2 =	sadd.s32 s3, s2  }
0x8d: {  	s2 =	sadd.s32 s2, s17  }
0x8e: {  	[smem:$0x3FBB] =	sst s2  }
0x8f: {  	_ = 	snop  }
0x90: {  	s2 =	sld [smem:$0x3FD0];
	(tm) =	ssettm $0x1  }
0x91: {  	s18 =	sld [smem:$0x3FFB];
	_ =	sdelay $0x3  }
0x92: {  	_ =	strace s18  }
0x93: {  	s3 =	sld [smem:$0x3FFC];
	_ =	sdelay $0x3  }
0x94: {  	_ =	strace s3  }
0x95: {  	s3 =	sld [smem:$0x3FFD];
	_ =	sdelay $0x3  }
0x96: {  	_ =	strace s3  }
0x97: {  	_ =	strace $0x8FFFFFFF  }
0x98: {  	s19 =	sld [smem:$0x3FDB];
	_ =	sdelay $0x1  }
0x99: {  	s4 =	simm.s32 $_scs_section_size  }
0x9a: {  	s5 =	simm.s32 $_size__tile_overlayer_lowered;
	s6 =	simm.s32 $_tile_overlayer_lowered  }
0x9b: {  	s22 =	simm.s32 $0x1BFF;
	s21 =	sshll.u32 s6, $0x1;
	s3 =	sadd.s32 s4, s19  }
0x9c: {  	s7 =	simm.s32 $0x0;
	s20 =	sshll.u32 s5, $0x1;
	s5 =	sadd.s32 s21, s3  }
0x9d: {  	[timem:s7], [sflag:s22] =	dma.local [hbm:s5], s20  }
0x9e: {  	_ =	swait.ge [sflag:s22], s20  }
0x9f: {  	s4 =	ssub.s32 $0x0, s20;
	[sflag:s22] =	ssyncset.done $0x0  }
0xa0: {  	[sflag:s22] =	ssyncadd.s32 s4;
	_ =	sdelay $0x1  }
0xa1: {  	s23 =	simm.s32 $0x1B8B  }
0xa2: {  	_ =	swait.ge [sflag:s23], $0x1  }
0xa3: {  	[sflag:s23] =	ssyncset.done $0x0  }
0xa4: {  	s25 =	simm.s32 $0x1B8E;
	s24 =	sld [smem:$0x3FFE];
	[sflag:s23] =	ssyncadd.s32 $0xFFFFFFFF  }
0xa5: {  	s26 =	simm.s32 $execute0_lowered;
	[smem:$0x3FD2] =	sst s25  }
0xa6: {  	s5 =	sshll.u32 s26, $0x1;
	_ =	strace $0x80000046;
	[dreg:$0x1] =	wrdreg $0xFFFFFFFF  }
0xa7: {  	s28 =	simm.s32 $_size_execute0_lowered;
	s3 =	sadd.s32 s3, s5;
	[dreg:$0x0] =	wrdreg $0x0  }
0xa8: {  	s5 =	sshll.u32 s28, $0x1;
	[dreg:$0x2] =	wrdreg s3  }
0xa9: {  	[dreg:$0x3] =	wrdreg s5  }
0xaa: {  	[dreg:$0x4] =	wrdreg $0xC0  }
0xab: {  	_ =	task [dreg:s7], $0x5FFFF  }
0xac: {  	[dreg:$0x1] =	wrdreg $0xFFFFFFFF  }
0xad: {  	[dreg:$0x0] =	wrdreg $0x60  }
0xae: {  	[dreg:$0x2] =	wrdreg s24  }
0xaf: {  	[dreg:$0x3] =	wrdreg s2  }
0xb0: {  	[dreg:$0x4] =	wrdreg $0x91000  }
0xb1: {  	[dreg:$0x5] =	wrdreg $0x9  }
0xb2: {  	_ =	task.clear_ibuf [dreg:s7], $0x6FFFF;
	_ =	strace $0x90000046  }
0xb3: {  	s29 =	simm.s32 $0x9;
	_ =	strace $0x80000048  }
0xb4: {  	_ =	swait.ge [sflag:s29], $0x1  }
0xb5: {  	[sflag:s29] =	ssyncadd.s32 $0xFFFFFFFF  }
0xb6: {  	_ =	strace $0x90000048  }
0xb7: {  	_ =	sfence  }
0xb8: {  	s30 =	sld [smem:$0x0];
	_ =	sdelay $0x2  }
0xb9: {  	s31 =	sshll.u32 s1, $0xD;
	s1 =	sshrl.u32 s1, $0x2  }
0xba: {  	s3 =	sand.u32 $0x4000, s31;
	s1 =	sadd.s32 s1, s30  }
0xbb: {  	s0 =	sor.u32 s3, s0;
	s1 =	sshll.u32 s1, $0x11  }
0xbc: {  	s0 =	sor.u32 s1, s0  }
0xbd: {  	s0 =	sadd.s32 $0x8F2B, s0  }
0xbe: {  	[sflag:s0] =	ssyncadd.remote.s32 $0x1  }
0xbf: {  	_ =	sfence.sel $0xFFFF  }
0xc0: {  	[dreg:$0x0] =	wrdreg $0xFFFFFFFF;
	(pc) =	sbr.abs _section_cstart, $3  }
0xc1: {  	[dreg:$0x1] =	wrdreg $0xFFFFFFFF  }
0xc2: {  	_ =	task.clear_ibuf [dreg:s7], $0x2FFFF;
	_ =	strace $0x9FFFFFFF  }
0xc3: {  	(tm) =	ssettm $0x7FFFFFFF  }
tec
execute0_lowered:
.L_overlay_start_1:
0x0: {  	(tag) =	ssettag $0x1  }
0x1: {  	s5 =	rddreg [dreg:$0x0]  }
0x2: {  	s11 =	rddreg [dreg:$0x1]  }
0x3: {  	s2 =	rddreg [dreg:$0x2]  }
0x4: {  	s0 =	rddreg [dreg:$0x3];
	s1 =	stileid.u32  }
0x5: {  	s4 =	srdreg.scid;
	s22 =	smul.u32 $0x5000, s1  }
0x6: {  	s3 =	simm.s32 $0x0;
	s19 =	simm.s32 $0x100;
	s8 =	smul.u32 $0x50000, s1  }
0x7: {  	s20 =	simm.s32 $0x1;
	s6 =	sand.u32 $0x1, s4;
	s23 =	smul.u32 $0x14000, s1  }
0x8: {  	s21 =	simm.s32 $0x0;
	[smem:$0x7FF] =	sst s3;
	s7 =	smul.u32 $0x2800, s6  }
0x9: {  	s9 =	sshll.u32 s1, $0x1;
	s31 =	sshll.u32 s1, $0x6;
	s25 =	smul.u32 $0x140000, s6  }
0xa: {  	_ =	strace $0x80000047;
	s24 =	sor.u32 s6, s9;
	s16 =	smul.u32 $0x28000, s6  }
0xb: {  	s29 =	ssub.s32 $0x2, s6;
	s10 =	sadd.s32 s8, s5;
	s14 =	smul.u32 $0x2800, s24  }
0xc: {  	s15 =	sshrl.u32 s23, $0x3;
	s30 =	sshrl.u32 s29, $0x1;
	s8 =	sshrl.u32 s8, $0x2  }
0xd: {  	s4 =	sadd.s32 s7, s22;
	s7 =	sadd.s32 s23, s25;
	s26 =	sadd.s32 s15, s5  }
0xe: {  	s17 =	ssub.s32 s29, s30;
	s18 =	sadd.s32 s8, s2;
	s10 =	sadd.s32 s16, s10  }
0xf: {  	s15 =	simm.s32 $0x6900;
	s16 =	sor.u32 $0x1C02, s31;
	s12 =	sshrl.u32 s4, $0x3  }
0x10: {  	s4 =	sadd.s32 $0xCE00, s5;
	s14 =	sshrl.u32 s14, $0x3;
	s7 =	sshrl.u32 s7, $0x3  }
0x11: {  	s9 =	smax.u32 s17, $0x1;
	s10 =	sadd.s32 $0x4E4E00, s10;
	s17 =	sshrl.u32 s18, $0x3  }
0x12: {  	s18 =	simm.s32 $0x80;
	s13 =	sadd.s32 s12, s5;
	s14 =	sadd.s32 s14, s5  }
0x13: {  	s28 =	sadd.s32 s7, s5;
	s5 =	sadd.s32 $0xD400, s26;
	s11 =	sadd.s32 s12, s11  }
0x14: {  	s6 =	sadd.s32 $0x35400, s14;
	s7 =	sadd.s32 $0x8F400, s14;
	s8 =	sadd.s32 $0x3F400, s28  }
0x15: {  	v0 =	vimm.f32 $1.000000000e+00;
	s12 =	sadd.s32 $0x2E00, s13;
	s13 =	simm.s32 $0x4100;
	s14 =	simm.s32 $0x2  }
.LBB2_1:
0x16: {  	[tilespmem:s13], [sflag:$0x2] =	stream.linear.gather [hbm4b:s4+s3], $0x2800, $0x38;
	[tilespmem:$0xB900] =	vst v63  }
0x17: {  	_ =	swait.ge [sflag:s14], $0x2800  }
0x18: {  	[sflag:s14] =	ssyncset.done $0x0  }
0x19: {  	[sflag:s14] =	ssyncadd.s32 $0xFFFFD800  }
0x1a: {  	[tilespmem:s15], [sflag:$0x2] =	stream.linear.gather [hbm4b:s4+s3], $0x2800, $0x38;
	[tilespmem:$0xB900] =	vst v63  }
0x1b: {  	_ =	swait.ge [sflag:s14], $0x2800  }
0x1c: {  	[sflag:s14] =	ssyncset.done $0x0  }
0x1d: {  	[sflag:s14] =	ssyncadd.s32 $0xFFFFD800  }
0x1e: {  	[spmem:s17], [sflag:s16] =	dma.local [hbm:s5], $0x2800  }
0x1f: {  	_ =	swait.ge [sflag:s14], $0x2800  }
0x20: {  	[sflag:s14] =	ssyncset.done $0x0  }
0x21: {  	[sflag:s14] =	ssyncadd.s32 $0xFFFFD800  }
0x22: {  	s22 =	smov.u32 s10;
	s23 =	simm.s32 $0x0;
	[bflag:$0x0] =	sbarrier.arrive $0xFFFF  }
.LBB2_2:
0x23: {  	s24 =	sadd.s32 s23, s12  }
0x24: {  	[tilespmem:s3], [sflag:$0x1] =	stream.linear.gather [hbm4b:s24+s3], $0x80, $0x38;
	[tilespmem:$0xB900] =	vst v63  }
0x25: {  	s31 =	sadd.s32 s23, s11  }
0x26: {  	[tilespmem:s18], [sflag:$0x1] =	stream.linear.gather [hbm4b:s31+s3], $0x80, $0x38;
	[tilespmem:$0xB900] =	vst v63  }
0x27: {  	_ = 	snop  }
0x28: {  	[tilespmem:s19], [sflag:$0x1] =	stream.linear.gather [hbm4b:s22+s3], $0x4000, $0x38;
	[tilespmem:$0xB900] =	vst v63  }
0x29: {  	_ =	swait.ge [sflag:s20], $0x80  }
0x2a: {  	[sflag:s20] =	ssyncset.done $0x0  }
0x2b: {  	[sflag:s20] =	ssyncadd.s32 $0xFFFFFF80  }
0x2c: {  	_ =	swait.ge [sflag:s20], $0x80  }
0x2d: {  	[sflag:s20] =	ssyncset.done $0x0  }
0x2e: {  	[sflag:s20] =	ssyncadd.s32 $0xFFFFFF80  }
0x2f: {  	_ =	swait.ge [sflag:s20], $0x4000  }
0x30: {  	[sflag:s20] =	ssyncset.done $0x0  }
0x31: {  	[sflag:s20] =	ssyncadd.s32 $0xFFFFC000  }
0x32: {  	v1 =	vld [tilespmem:$0x0];
	_ =	sdelay $0x7  }
0x33: {  	[tilespmem:v1+s13+$0x0] =	vst.idx.add.f32.msk $0xffff, v0  }
0x34: {  	v1 =	vld [tilespmem:$0x80];
	_ =	sdelay $0x7  }
0x35: {  	[tilespmem:v1+s15+$0x0] =	vst.idx.add.f32.msk $0xffff, v0  }
0x36: {  	v1 =	vld [tilespmem:$0x10];
	_ =	sdelay $0x7  }
0x37: {  	[tilespmem:v1+s13+$0x0] =	vst.idx.add.f32.msk $0xffff, v0  }
0x38: {  	v1 =	vld [tilespmem:$0x90];
	_ =	sdelay $0x7  }
0x39: {  	[tilespmem:v1+s15+$0x0] =	vst.idx.add.f32.msk $0xffff, v0  }
0x3a: {  	v1 =	vld [tilespmem:$0x20];
	_ =	sdelay $0x7  }
0x3b: {  	[tilespmem:v1+s13+$0x0] =	vst.idx.add.f32.msk $0xffff, v0  }
0x3c: {  	v1 =	vld [tilespmem:$0xA0];
	_ =	sdelay $0x7  }
0x3d: {  	[tilespmem:v1+s15+$0x0] =	vst.idx.add.f32.msk $0xffff, v0  }
0x3e: {  	v1 =	vld [tilespmem:$0x30];
	_ =	sdelay $0x7  }
0x3f: {  	[tilespmem:v1+s13+$0x0] =	vst.idx.add.f32.msk $0xffff, v0  }
0x40: {  	v1 =	vld [tilespmem:$0xB0];
	_ =	sdelay $0x7  }
0x41: {  	[tilespmem:v1+s15+$0x0] =	vst.idx.add.f32.msk $0xffff, v0  }
0x42: {  	v1 =	vld [tilespmem:$0x40];
	_ =	sdelay $0x7  }
0x43: {  	[tilespmem:v1+s13+$0x0] =	vst.idx.add.f32.msk $0xffff, v0  }
0x44: {  	v1 =	vld [tilespmem:$0xC0];
	_ =	sdelay $0x7  }
0x45: {  	[tilespmem:v1+s15+$0x0] =	vst.idx.add.f32.msk $0xffff, v0  }
0x46: {  	v1 =	vld [tilespmem:$0x50];
	_ =	sdelay $0x7  }
0x47: {  	[tilespmem:v1+s13+$0x0] =	vst.idx.add.f32.msk $0xffff, v0  }
0x48: {  	v1 =	vld [tilespmem:$0xD0];
	_ =	sdelay $0x7  }
0x49: {  	[tilespmem:v1+s15+$0x0] =	vst.idx.add.f32.msk $0xffff, v0  }
0x4a: {  	v1 =	vld [tilespmem:$0x60];
	_ =	sdelay $0x7  }
0x4b: {  	[tilespmem:v1+s13+$0x0] =	vst.idx.add.f32.msk $0xffff, v0  }
0x4c: {  	v1 =	vld [tilespmem:$0xE0];
	_ =	sdelay $0x7  }
0x4d: {  	[tilespmem:v1+s15+$0x0] =	vst.idx.add.f32.msk $0xffff, v0  }
0x4e: {  	v1 =	vld [tilespmem:$0x70];
	_ =	sdelay $0x7  }
0x4f: {  	[tilespmem:v1+s13+$0x0] =	vst.idx.add.f32.msk $0xffff, v0  }
0x50: {  	v1 =	vld [tilespmem:$0xF0];
	_ =	sdelay $0x6  }
0x51: {  	p0 =	sne.s32 s23, $0x4F0  }
.Ltmp0:
0x52: {  	[tilespmem:v1+s15+$0x0] =	vst.idx.add.f32.msk $0xffff, v0;
	(pc) =	sbr.rel @p0 .LBB2_2-.Ltmp0, $4  }
0x53: {  	[spmem:s2] =	stream.indirect.scatter.add.f32 [tilespmem:s19], [sflag:$0x2], $0x10, s3, s18, $0xb8;
	[tilespmem:$0xB900] =	vst v63  }
0x54: {  	_ =	swait.ge [sflag:s14], $0x800  }
0x55: {  	[sflag:s14] =	ssyncset.done $0x0  }
0x56: {  	s23 =	sadd.s32 $0x10, s23;
	s22 =	sadd.s32 $0x800, s22;
	[sflag:s14] =	ssyncadd.s32 $0xFFFFF800  }
0x57: {  	[bflag:$0x0] =	sbarrier.arrive $0xFFFF  }
0x58: {  	[hbm4b:s6+s3] =	stream.linear.scatter [tilespmem:s13], [sflag:$0x2], $0x2800, $0x38;
	[tilespmem:$0xB900] =	vst v63  }
0x59: {  	_ =	swait.ge [sflag:s14], $0x2800  }
0x5a: {  	[sflag:s14] =	ssyncset.done $0x0  }
0x5b: {  	[sflag:s14] =	ssyncadd.s32 $0xFFFFD800  }
0x5c: {  	[hbm4b:s7+s3] =	stream.linear.scatter [tilespmem:s15], [sflag:$0x2], $0x2800, $0x38;
	[tilespmem:$0xB900] =	vst v63  }
0x5d: {  	s21 =	sadd.s32 $0x1, s21;
	_ =	swait.ge [sflag:s14], $0x2800  }
0x5e: {  	p0 =	sne.s32 s21, s9;
	[sflag:s14] =	ssyncset.done $0x0  }
.Ltmp1:
0x5f: {  	[sflag:s14] =	ssyncadd.s32 $0xFFFFD800;
	(pc) =	sbr.rel @p0 .LBB2_1-.Ltmp1, $4  }
0x60: {  	[hbm:s8], [sflag:s16] =	dma.local [spmem:s17], $0x2800  }
0x61: {  	_ =	swait.ge [sflag:s14], $0x2800  }
0x62: {  	[sflag:s14] =	ssyncset.done $0x0  }
0x63: {  	[sflag:s14] =	ssyncadd.s32 $0xFFFFD800  }
0x64: {  	_ =	sfence.sel $0x180000  }
0x65: {  	[bflag:$0x0] =	sbarrier.arrive $0xFFFF  }
0x66: {  	p0 =	sne.s32 s1, $0x0;
	_ =	strace $0x90000047  }
0x67: {  	s0 =	sadd.s32 @!p0 $0x100000, s0;
	[bflag:$0x2] =	sbarrier.arrive $0xFFFF  }
0x68: {  	[sflag:s0] =	ssyncadd.tile.s32 @!p0 $0x1;
	_ =	shalt  }
.Lfunc_end2:
_tile_overlayer_lowered:
.L_overlay_start_2:
0x69: {  	(tag) =	ssettag $0x2  }
0x6a: {  	s0 =	rddreg [dreg:$0x0];
	s2 =	stileid.u32  }
0x6b: {  	s1 =	rddreg [dreg:$0x1];
	p0 =	sne.s32 s2, $0x0  }
0x6c: {  	s3 =	rddreg [dreg:$0x2];
	[bflag:$0x3] =	sbarrier.arrive $0xFFFF;
	s2 =	simm.s32 @!p0 $0x1C02  }
0x6d: {  	[timem:s3], [sflag:s2] =	dma.local @!p0 [hbm:s0], s1  }
0x6e: {  	s0 =	simm.s32 @!p0 $0x2  }
0x6f: {  	_ =	swait.ge @!p0 [sflag:s0], s1  }
0x70: {  	s1 =	ssub.s32 @!p0 $0x0, s1;
	[sflag:s0] =	ssyncset.done @!p0 $0x0  }
0x71: {  	[sflag:s0] =	ssyncadd.s32 @!p0 s1  }
0x72: {  	[bflag:$0x3] =	sbarrier.arrive $0xFFFF  }
0x73: {  	_ =	shalt  }

</sc_bundles>
